<compile_context>
chip_gen: v7x
topology: tpu7x:2x2x1
jax: 0.10.2.dev20260603
libtpu: 0.0.44.dev20260713+nightly
codegen_flags: <defaults>
</compile_context>

<pallas_src>
import functools

import jax
import jax.numpy as jnp
from jax import lax
from jax.experimental import pallas as pl
from jax.experimental.pallas import tpu as pltpu
from jax.experimental.pallas import tpu_sc as plsc

N_NODES = 10000
NPAD = 10240
IN_DIM = 128
HID_DIM = 128
NUM_CLASSES = 40
N_EDGES = 320000

NC = 2
NS = 16
NW = NC * NS
EW = N_EDGES // NW
CHUNK = 100
KCH = EW // CHUNK
ROWS_PER_SUB = NPAD // NS
ZR = 40

_MESH = plsc.VectorSubcoreMesh(core_axis_name="c", subcore_axis_name="s")
_SC_PARAMS = pltpu.CompilerParams(use_tc_tiling_on_sc=False)




@functools.partial(
    pl.kernel,
    out_type=jax.ShapeDtypeStruct((NC, NPAD, 8), jnp.float32),
    mesh=_MESH,
    scratch_types=[
        pltpu.VMEM((KCH, CHUNK), jnp.int32),
        pltpu.VMEM((CHUNK, 8), jnp.float32),
        pltpu.VMEM_SHARED((NPAD, 8), jnp.float32),
        pltpu.SemaphoreType.DMA,
        pltpu.SemaphoreType.DMA,
    ],
    compiler_params=_SC_PARAMS,
)
def _sc_degree(dst_hbm, ones_hbm, out_hbm, idx_v, ones_v, acc, sem0, sem1):
    c = lax.axis_index("c")
    s = lax.axis_index("s")
    wid = s * NC + c
    base = s * ROWS_PER_SUB
    pltpu.async_copy(dst_hbm.at[wid], idx_v, sem0)
    pltpu.sync_copy(ones_hbm, ones_v)
    @pl.loop(0, ROWS_PER_SUB, step=ZR)
    def _(r):
        pltpu.sync_copy(ones_v.at[pl.ds(0, ZR)], acc.at[pl.ds(base + r, ZR)])

    pltpu.make_async_copy(dst_hbm.at[wid], idx_v, sem0).wait()
    plsc.subcore_barrier()

    sems = (sem0, sem1)

    @pl.loop(0, KCH, step=2)
    def _(j):
        for b in range(2):
            jj = j + b

            @pl.when(jj >= 2)
            def _():
                pltpu.make_async_copy(
                    ones_v, acc.at[idx_v.at[jj - 2]], sems[b]).wait()

            pltpu.async_copy(ones_v, acc.at[idx_v.at[jj]], sems[b], add=True)

    for b in range(2):
        pltpu.make_async_copy(
            ones_v, acc.at[idx_v.at[KCH - 2 + b]], sems[b]).wait()

    plsc.subcore_barrier()
    pltpu.sync_copy(acc.at[pl.ds(base, ROWS_PER_SUB)],
                    out_hbm.at[c, pl.ds(base, ROWS_PER_SUB)])


def _make_sc_aggregate(dim, chunk, nbuf):
    kch = EW // chunk
    assert kch % nbuf == 0

    @functools.partial(
        pl.kernel,
        out_type=jax.ShapeDtypeStruct((NC, NPAD, dim), jnp.float32),
        mesh=_MESH,
        scratch_types=(
            [pltpu.VMEM((kch, chunk), jnp.int32)] * 2
            + [pltpu.VMEM((chunk, dim), jnp.float32)] * nbuf
            + [pltpu.VMEM_SHARED((NPAD, dim), jnp.float32)]
            + [pltpu.SemaphoreType.DMA] * (2 * nbuf + 1)
        ),
        compiler_params=_SC_PARAMS,
    )
    def agg(h_hbm, src_hbm, dst_hbm, zeros_hbm, out_hbm, *refs):
        src_v, dst_v = refs[0], refs[1]
        gbufs = refs[2:2 + nbuf]
        acc = refs[2 + nbuf]
        gsems = refs[3 + nbuf:3 + 2 * nbuf]
        ssems = refs[3 + 2 * nbuf:3 + 3 * nbuf]
        isem = refs[3 + 3 * nbuf]
        c = lax.axis_index("c")
        s = lax.axis_index("s")
        wid = s * NC + c
        base = s * ROWS_PER_SUB
        pltpu.async_copy(src_hbm.at[wid], src_v, isem)
        pltpu.sync_copy(zeros_hbm, gbufs[0].at[pl.ds(0, ZR)])

        @pl.loop(0, ROWS_PER_SUB, step=ZR)
        def _(r):
            pltpu.sync_copy(gbufs[0].at[pl.ds(0, ZR)],
                            acc.at[pl.ds(base + r, ZR)])

        pltpu.make_async_copy(src_hbm.at[wid], src_v, isem).wait()
        pltpu.sync_copy(dst_hbm.at[wid], dst_v)
        plsc.subcore_barrier()

        if nbuf == 2:
            pltpu.async_copy(h_hbm.at[src_v.at[0]], gbufs[0], gsems[0])

            @pl.loop(0, kch, step=2)
            def _(j):
                for b in range(2):
                    jj = j + b
                    nb = 1 - b

                    @pl.when(jj + 1 < kch)
                    def _():
                        pltpu.async_copy(
                            h_hbm.at[src_v.at[jj + 1]], gbufs[nb], gsems[nb])

                    pltpu.make_async_copy(
                        h_hbm.at[src_v.at[jj]], gbufs[b], gsems[b]).wait()
                    pltpu.sync_copy(gbufs[b], acc.at[dst_v.at[jj]], add=True)
        else:
            pltpu.async_copy(h_hbm.at[src_v.at[0]], gbufs[0], gsems[0])
            pltpu.async_copy(h_hbm.at[src_v.at[1]], gbufs[1], gsems[1])

            @pl.loop(0, kch, step=4)
            def _(j):
                for b in range(4):
                    jj = j + b
                    nb = (b + 2) % 4
                    pltpu.make_async_copy(
                        h_hbm.at[src_v.at[jj]], gbufs[b], gsems[b]).wait()
                    pltpu.async_copy(
                        gbufs[b], acc.at[dst_v.at[jj]], ssems[b], add=True)

                    @pl.when(jj + 2 < kch)
                    def _():
                        @pl.when(jj >= 2)
                        def _():
                            pltpu.make_async_copy(
                                gbufs[nb], acc.at[dst_v.at[jj]],
                                ssems[nb]).wait()

                        pltpu.async_copy(
                            h_hbm.at[src_v.at[jj + 2]], gbufs[nb], gsems[nb])

            for b in range(4):
                pltpu.make_async_copy(
                    gbufs[b], acc.at[dst_v.at[kch - 4 + b]], ssems[b]).wait()

        plsc.subcore_barrier()
        pltpu.sync_copy(acc.at[pl.ds(base, ROWS_PER_SUB)],
                        out_hbm.at[c, pl.ds(base, ROWS_PER_SUB)])

    return agg


_sc_agg128 = _make_sc_aggregate(HID_DIM, 100, 2)
_sc_agg40 = _make_sc_aggregate(NUM_CLASSES, 100, 4)



BR = 2560
GRID = NPAD // BR


def _tc_scale1_body(x_ref, w_ref, deg_ref, h1p_ref, dis_ref):
    d = deg_ref[0][:, 0:1] + deg_ref[1][:, 0:1] - 1.0
    dis = lax.rsqrt(d)
    h = jnp.dot(x_ref[...], w_ref[...], preferred_element_type=jnp.float32)
    h1p_ref[...] = h * dis
    dis_ref[...] = dis


def _tc_scale1(x_pad, w1, degp):
    return pl.pallas_call(
        _tc_scale1_body,
        grid=(GRID,),
        in_specs=[
            pl.BlockSpec((BR, IN_DIM), lambda i: (i, 0)),
            pl.BlockSpec((IN_DIM, HID_DIM), lambda i: (0, 0)),
            pl.BlockSpec((NC, BR, 8), lambda i: (0, i, 0)),
        ],
        out_specs=[
            pl.BlockSpec((BR, HID_DIM), lambda i: (i, 0)),
            pl.BlockSpec((BR, 1), lambda i: (i, 0)),
        ],
        out_shape=[
            jax.ShapeDtypeStruct((NPAD, HID_DIM), jnp.float32),
            jax.ShapeDtypeStruct((NPAD, 1), jnp.float32),
        ],
    )(x_pad, w1, degp)


def _tc_mid_body(p_ref, h1p_ref, dis_ref, b1_ref, w2_ref, h2p_ref):
    agg = p_ref[0] + p_ref[1] + h1p_ref[...]
    out1 = jnp.maximum(agg * dis_ref[...] + b1_ref[...], 0.0)
    h2 = jnp.dot(out1, w2_ref[...], preferred_element_type=jnp.float32)
    h2p_ref[...] = h2 * dis_ref[...]


def _tc_mid(p1, h1p, dis, b1, w2):
    return pl.pallas_call(
        _tc_mid_body,
        grid=(GRID,),
        in_specs=[
            pl.BlockSpec((NC, BR, HID_DIM), lambda i: (0, i, 0)),
            pl.BlockSpec((BR, HID_DIM), lambda i: (i, 0)),
            pl.BlockSpec((BR, 1), lambda i: (i, 0)),
            pl.BlockSpec((1, HID_DIM), lambda i: (0, 0)),
            pl.BlockSpec((HID_DIM, NUM_CLASSES), lambda i: (0, 0)),
        ],
        out_specs=pl.BlockSpec((BR, NUM_CLASSES), lambda i: (i, 0)),
        out_shape=jax.ShapeDtypeStruct((NPAD, NUM_CLASSES), jnp.float32),
    )(p1, h1p, dis, b1, w2)


def _tc_final_body(p_ref, h2p_ref, dis_ref, b2_ref, out_ref):
    agg = p_ref[0] + p_ref[1] + h2p_ref[...]
    out_ref[...] = agg * dis_ref[...] + b2_ref[...]


def _tc_final(p2, h2p, dis, b2):
    return pl.pallas_call(
        _tc_final_body,
        grid=(GRID,),
        in_specs=[
            pl.BlockSpec((NC, BR, NUM_CLASSES), lambda i: (0, i, 0)),
            pl.BlockSpec((BR, NUM_CLASSES), lambda i: (i, 0)),
            pl.BlockSpec((BR, 1), lambda i: (i, 0)),
            pl.BlockSpec((1, NUM_CLASSES), lambda i: (0, 0)),
        ],
        out_specs=pl.BlockSpec((BR, NUM_CLASSES), lambda i: (i, 0)),
        out_shape=jax.ShapeDtypeStruct((NPAD, NUM_CLASSES), jnp.float32),
    )(p2, h2p, dis, b2)




def kernel(x, edge_index, W1, b1, W2, b2):
    ei = edge_index.astype(jnp.int32)
    src100 = ei[0].reshape(NW, EW // 100, 100)
    dst100 = ei[1].reshape(NW, EW // 100, 100)

    x_pad = jnp.pad(x, ((0, NPAD - N_NODES), (0, 0)))

    ones8 = jnp.ones((CHUNK, 8), jnp.float32)
    zeros128 = jnp.zeros((ZR, HID_DIM), jnp.float32)
    zeros40 = jnp.zeros((ZR, NUM_CLASSES), jnp.float32)
    b1r = b1.reshape(1, HID_DIM)
    b2r = b2.reshape(1, NUM_CLASSES)

    degp = _sc_degree(dst100, ones8)
    h1p, dis = _tc_scale1(x_pad, W1, degp)
    p1 = _sc_agg128(h1p, src100, dst100, zeros128)
    h2p = _tc_mid(p1, h1p, dis, b1r, W2)
    p2 = _sc_agg40(h2p, src100, dst100, zeros40)
    out = _tc_final(p2, h2p, dis, b2r)
    return out[:N_NODES]

# --- scband reference (transcript-rebuilt; emitter-appended) ---
"""Pipeline reference for scband-gcn-67542655696999 (READ-ONLY COPY).

The authoritative reference and input builder live on the scoring server;
editing this copy changes nothing except your own understanding.
"""

import jax, jax.numpy as jnp
import numpy as np

N_NODES = 10000
N_EDGES = 320000
IN_DIM = 128
HID_DIM = 128
NUM_CLASSES = 40


def gcn_conv(x, edge_index, W, b):
    # PyG-style GCNConv: add self-loops, symmetric normalization, scatter-add aggregation.
    N = x.shape[0]
    loop = jnp.arange(N, dtype=edge_index.dtype)
    src = jnp.concatenate([edge_index[0], loop])
    dst = jnp.concatenate([edge_index[1], loop])
    ones = jnp.ones(src.shape[0], dtype=x.dtype)
    deg = jax.ops.segment_sum(ones, dst, num_segments=N)
    deg_inv_sqrt = jnp.where(deg > 0, deg ** -0.5, 0.0)
    norm = deg_inv_sqrt[src] * deg_inv_sqrt[dst]
    h = x @ W  # dense transform
    msg = jnp.take(h, src, axis=0) * norm[:, None]  # gather
    out = jax.ops.segment_sum(msg, dst, num_segments=N)  # scatter-add
    return out + b


def setup_inputs(seed: int = 0) -> dict:
    key = jax.random.key(seed)
    k_x, k_ei, k_w1, k_b1, k_w2, k_b2 = jax.random.split(key, 6)
    x = jax.random.normal(k_x, (N_NODES, IN_DIM), dtype=jnp.float32)
    edge_index = jax.random.randint(k_ei, (2, N_EDGES), 0, N_NODES, dtype=jnp.int64)
    # Glorot-ish init for GCNConv weights
    W1 = jax.random.normal(k_w1, (IN_DIM, HID_DIM), dtype=jnp.float32) * (1.0 / np.sqrt(IN_DIM))
    b1 = jnp.zeros((HID_DIM,), dtype=jnp.float32)
    W2 = jax.random.normal(k_w2, (HID_DIM, NUM_CLASSES), dtype=jnp.float32) * (1.0 / np.sqrt(HID_DIM))
    b2 = jnp.zeros((NUM_CLASSES,), dtype=jnp.float32)
    return {"x": x, "edge_index": edge_index, "W1": W1, "b1": b1, "W2": W2, "b2": b2}


def reference(x, edge_index, W1, b1, W2, b2):
    # forward of GCN: conv1 -> relu -> dropout(eval, no-op) -> conv2
    x1 = jax.nn.relu(gcn_conv(x, edge_index, W1, b1))
    # dropout with training=False is identity
    x2 = gcn_conv(x1, edge_index, W2, b2)
    return x2

if __name__ == "__main__":
    import jax
    _d = setup_inputs()
    print(jax.jit(kernel)(*tuple(_d.values())))

</pallas_src>

<mosaic_0001>
#map = affine_map<(d0, d1) -> (0, 0)>
#map1 = affine_map<(d0, d1) -> (0, 0, 0)>
module attributes {stable_mosaic.version = 14 : i64} {
  func.func @agg(%arg0: i32, %arg1: i32, %arg2: memref<10240x128xf32, #tpu.memory_space<hbm>>, %arg3: memref<32x100x100xi32, #tpu.memory_space<hbm>>, %arg4: memref<32x100x100xi32, #tpu.memory_space<hbm>>, %arg5: memref<40x128xf32, #tpu.memory_space<hbm>>, %arg6: memref<2x10240x128xf32, #tpu.memory_space<hbm>>, %arg7: memref<100x100xi32, #tpu.memory_space<vmem>>, %arg8: memref<100x100xi32, #tpu.memory_space<vmem>>, %arg9: memref<100x128xf32, #tpu.memory_space<vmem>>, %arg10: memref<100x128xf32, #tpu.memory_space<vmem>>, %arg11: memref<10240x128xf32, #tpu.memory_space<vmem_shared>>, %arg12: memref<!tpu.dma_semaphore, #tpu.memory_space<semaphore_mem>>, %arg13: memref<!tpu.dma_semaphore, #tpu.memory_space<semaphore_mem>>, %arg14: memref<!tpu.dma_semaphore, #tpu.memory_space<semaphore_mem>>, %arg15: memref<!tpu.dma_semaphore, #tpu.memory_space<semaphore_mem>>, %arg16: memref<!tpu.dma_semaphore, #tpu.memory_space<semaphore_mem>>) attributes {dimension_semantics = [#tpu.dimension_semantics<core_parallel>, #tpu.dimension_semantics<subcore_parallel>], iteration_bounds = array<i64: 2, 16>, scalar_prefetch = 0 : i64, scratch_operands = 10 : i64, tpu.core_type = #tpu.core_type<sc_vector_subcore>, window_params = [{transform_indices = #map}, {transform_indices = #map1}, {transform_indices = #map1}, {transform_indices = #map}, {transform_indices = #map1}]} {
    %mul3A = arith.constant 2 : i32
    %mul3A_0 = arith.muli %arg1, %mul3A : i32
    %add3A = arith.addi %mul3A_0, %arg0 : i32
    %mul3A_1 = arith.constant 640 : i32
    %mul3A_2 = arith.muli %arg1, %mul3A_1 : i32
    %dma_start3A = arith.constant 0 : i32
    %dma_start3A_3 = arith.constant 0 : i32
    %dma_start3A_4 = tpu.memref_slice %arg3[%add3A, %dma_start3A, %dma_start3A_3] : memref<32x100x100xi32, #tpu.memory_space<hbm>> -> memref<1x100x100xi32, #tpu.memory_space<hbm>>
    %dma_start3A_5 = tpu.memref_squeeze %dma_start3A_4 : memref<1x100x100xi32, #tpu.memory_space<hbm>> -> memref<100x100xi32, #tpu.memory_space<hbm>>
    %dma_start3A_6 = arith.constant 0 : i32
    %dma_start3A_7 = arith.constant 0 : i32
    %dma_start3A_8 = tpu.memref_slice %arg3[%add3A, %dma_start3A_6, %dma_start3A_7] : memref<32x100x100xi32, #tpu.memory_space<hbm>> -> memref<1x100x100xi32, #tpu.memory_space<hbm>>
    %dma_start3A_9 = tpu.memref_squeeze %dma_start3A_8 : memref<1x100x100xi32, #tpu.memory_space<hbm>> -> memref<100x100xi32, #tpu.memory_space<hbm>>
    tpu.enqueue_dma source(%dma_start3A_9 : memref<100x100xi32, #tpu.memory_space<hbm>>) target(%arg7 : memref<100x100xi32, #tpu.memory_space<vmem>>) target_semaphore(%arg16 : memref<!tpu.dma_semaphore, #tpu.memory_space<semaphore_mem>>)
    "tpu.region"() ({
      %run_scoped3A = tpu.sem_alloc : memref<!tpu.dma_semaphore, #tpu.memory_space<semaphore_mem>>
      %dma_start3A_34 = arith.constant 0 : i32
      %dma_start3A_35 = arith.constant 0 : i32
      %dma_start3A_36 = tpu.memref_slice %arg9[%dma_start3A_34, %dma_start3A_35] : memref<100x128xf32, #tpu.memory_space<vmem>> -> memref<40x128xf32, #tpu.memory_space<vmem>>
      %dma_start3A_37 = arith.constant 0 : i32
      %dma_start3A_38 = arith.constant 0 : i32
      %dma_start3A_39 = tpu.memref_slice %arg9[%dma_start3A_37, %dma_start3A_38] : memref<100x128xf32, #tpu.memory_space<vmem>> -> memref<40x128xf32, #tpu.memory_space<vmem>>
      tpu.enqueue_dma source(%arg5 : memref<40x128xf32, #tpu.memory_space<hbm>>) target(%dma_start3A_39 : memref<40x128xf32, #tpu.memory_space<vmem>>) target_semaphore(%run_scoped3A : memref<!tpu.dma_semaphore, #tpu.memory_space<semaphore_mem>>)
      %dma_wait3A_40 = arith.constant 0 : i32
      %dma_wait3A_41 = arith.constant 0 : i32
      %dma_wait3A_42 = tpu.memref_slice %arg9[%dma_wait3A_40, %dma_wait3A_41] : memref<100x128xf32, #tpu.memory_space<vmem>> -> memref<40x128xf32, #tpu.memory_space<vmem>>
      %dma_wait3A_43 = arith.constant 0 : i32
      %dma_wait3A_44 = arith.constant 0 : i32
      %dma_wait3A_45 = tpu.memref_slice %arg9[%dma_wait3A_43, %dma_wait3A_44] : memref<100x128xf32, #tpu.memory_space<vmem>> -> memref<40x128xf32, #tpu.memory_space<vmem>>
      tpu.wait_dma2 semaphore(%run_scoped3A : memref<!tpu.dma_semaphore, #tpu.memory_space<semaphore_mem>>) src(%arg5 : memref<40x128xf32, #tpu.memory_space<hbm>>) dst(%dma_wait3A_45 : memref<40x128xf32, #tpu.memory_space<vmem>>)
      tpu.yield
    }) : () -> ()
    %scan3A = arith.constant 0 : i32
    %scan3A_10 = arith.constant 16 : i32
    %scan3A_11 = arith.addi %scan3A, %scan3A_10 : i32
    %scan3A_12 = arith.constant 1 : i32
    scf.for %scan3A_34 = %scan3A to %scan3A_11 step %scan3A_12  : i32 {
      %mul3A_35 = arith.constant 40 : i32
      %mul3A_36 = arith.muli %scan3A_34, %mul3A_35 : i32
      %add3A_37 = arith.constant 0 : i32
      %add3A_38 = arith.addi %add3A_37, %mul3A_36 : i32
      %add3A_39 = arith.addi %mul3A_2, %add3A_38 : i32
      "tpu.region"() ({
        %run_scoped3A = tpu.sem_alloc : memref<!tpu.dma_semaphore, #tpu.memory_space<semaphore_mem>>
        %dma_start3A_40 = arith.constant 0 : i32
        %dma_start3A_41 = arith.constant 0 : i32
        %dma_start3A_42 = tpu.memref_slice %arg9[%dma_start3A_40, %dma_start3A_41] : memref<100x128xf32, #tpu.memory_space<vmem>> -> memref<40x128xf32, #tpu.memory_space<vmem>>
        %dma_start3A_43 = arith.constant 0 : i32
        %dma_start3A_44 = tpu.memref_slice %arg11[%add3A_39, %dma_start3A_43] : memref<10240x128xf32, #tpu.memory_space<vmem_shared>> -> memref<40x128xf32, #tpu.memory_space<vmem_shared>>
        %dma_start3A_45 = arith.constant 0 : i32
        %dma_start3A_46 = tpu.memref_slice %arg11[%add3A_39, %dma_start3A_45] : memref<10240x128xf32, #tpu.memory_space<vmem_shared>> -> memref<40x128xf32, #tpu.memory_space<vmem_shared>>
        %dma_start3A_47 = arith.constant 0 : i32
        %dma_start3A_48 = arith.constant 0 : i32
        %dma_start3A_49 = tpu.memref_slice %arg9[%dma_start3A_47, %dma_start3A_48] : memref<100x128xf32, #tpu.memory_space<vmem>> -> memref<40x128xf32, #tpu.memory_space<vmem>>
        tpu.enqueue_dma source(%dma_start3A_49 : memref<40x128xf32, #tpu.memory_space<vmem>>) target(%dma_start3A_46 : memref<40x128xf32, #tpu.memory_space<vmem_shared>>) target_semaphore(%run_scoped3A : memref<!tpu.dma_semaphore, #tpu.memory_space<semaphore_mem>>)
        %dma_wait3A_50 = arith.constant 0 : i32
        %dma_wait3A_51 = arith.constant 0 : i32
        %dma_wait3A_52 = tpu.memref_slice %arg9[%dma_wait3A_50, %dma_wait3A_51] : memref<100x128xf32, #tpu.memory_space<vmem>> -> memref<40x128xf32, #tpu.memory_space<vmem>>
        %dma_wait3A_53 = arith.constant 0 : i32
        %dma_wait3A_54 = tpu.memref_slice %arg11[%add3A_39, %dma_wait3A_53] : memref<10240x128xf32, #tpu.memory_space<vmem_shared>> -> memref<40x128xf32, #tpu.memory_space<vmem_shared>>
        %dma_wait3A_55 = arith.constant 0 : i32
        %dma_wait3A_56 = tpu.memref_slice %arg11[%add3A_39, %dma_wait3A_55] : memref<10240x128xf32, #tpu.memory_space<vmem_shared>> -> memref<40x128xf32, #tpu.memory_space<vmem_shared>>
        %dma_wait3A_57 = arith.constant 0 : i32
        %dma_wait3A_58 = arith.constant 0 : i32
        %dma_wait3A_59 = tpu.memref_slice %arg9[%dma_wait3A_57, %dma_wait3A_58] : memref<100x128xf32, #tpu.memory_space<vmem>> -> memref<40x128xf32, #tpu.memory_space<vmem>>
        tpu.wait_dma2 semaphore(%run_scoped3A : memref<!tpu.dma_semaphore, #tpu.memory_space<semaphore_mem>>) src(%dma_wait3A_59 : memref<40x128xf32, #tpu.memory_space<vmem>>) dst(%dma_wait3A_56 : memref<40x128xf32, #tpu.memory_space<vmem_shared>>)
        tpu.yield
      }) : () -> ()
    }
    %scan3A_13 = arith.constant 16 : i32
    %dma_wait3A = arith.constant 0 : i32
    %dma_wait3A_14 = arith.constant 0 : i32
    %dma_wait3A_15 = tpu.memref_slice %arg3[%add3A, %dma_wait3A, %dma_wait3A_14] : memref<32x100x100xi32, #tpu.memory_space<hbm>> -> memref<1x100x100xi32, #tpu.memory_space<hbm>>
    %dma_wait3A_16 = tpu.memref_squeeze %dma_wait3A_15 : memref<1x100x100xi32, #tpu.memory_space<hbm>> -> memref<100x100xi32, #tpu.memory_space<hbm>>
    %dma_wait3A_17 = arith.constant 0 : i32
    %dma_wait3A_18 = arith.constant 0 : i32
    %dma_wait3A_19 = tpu.memref_slice %arg3[%add3A, %dma_wait3A_17, %dma_wait3A_18] : memref<32x100x100xi32, #tpu.memory_space<hbm>> -> memref<1x100x100xi32, #tpu.memory_space<hbm>>
    %dma_wait3A_20 = tpu.memref_squeeze %dma_wait3A_19 : memref<1x100x100xi32, #tpu.memory_space<hbm>> -> memref<100x100xi32, #tpu.memory_space<hbm>>
    tpu.wait_dma2 semaphore(%arg16 : memref<!tpu.dma_semaphore, #tpu.memory_space<semaphore_mem>>) src(%dma_wait3A_20 : memref<100x100xi32, #tpu.memory_space<hbm>>) dst(%arg7 : memref<100x100xi32, #tpu.memory_space<vmem>>)
    "tpu.region"() ({
      %run_scoped3A = tpu.sem_alloc : memref<!tpu.dma_semaphore, #tpu.memory_space<semaphore_mem>>
      %dma_start3A_34 = arith.constant 0 : i32
      %dma_start3A_35 = arith.constant 0 : i32
      %dma_start3A_36 = tpu.memref_slice %arg4[%add3A, %dma_start3A_34, %dma_start3A_35] : memref<32x100x100xi32, #tpu.memory_space<hbm>> -> memref<1x100x100xi32, #tpu.memory_space<hbm>>
      %dma_start3A_37 = tpu.memref_squeeze %dma_start3A_36 : memref<1x100x100xi32, #tpu.memory_space<hbm>> -> memref<100x100xi32, #tpu.memory_space<hbm>>
      %dma_start3A_38 = arith.constant 0 : i32
      %dma_start3A_39 = arith.constant 0 : i32
      %dma_start3A_40 = tpu.memref_slice %arg4[%add3A, %dma_start3A_38, %dma_start3A_39] : memref<32x100x100xi32, #tpu.memory_space<hbm>> -> memref<1x100x100xi32, #tpu.memory_space<hbm>>
      %dma_start3A_41 = tpu.memref_squeeze %dma_start3A_40 : memref<1x100x100xi32, #tpu.memory_space<hbm>> -> memref<100x100xi32, #tpu.memory_space<hbm>>
      tpu.enqueue_dma source(%dma_start3A_41 : memref<100x100xi32, #tpu.memory_space<hbm>>) target(%arg8 : memref<100x100xi32, #tpu.memory_space<vmem>>) target_semaphore(%run_scoped3A : memref<!tpu.dma_semaphore, #tpu.memory_space<semaphore_mem>>)
      %dma_wait3A_42 = arith.constant 0 : i32
      %dma_wait3A_43 = arith.constant 0 : i32
      %dma_wait3A_44 = tpu.memref_slice %arg4[%add3A, %dma_wait3A_42, %dma_wait3A_43] : memref<32x100x100xi32, #tpu.memory_space<hbm>> -> memref<1x100x100xi32, #tpu.memory_space<hbm>>
      %dma_wait3A_45 = tpu.memref_squeeze %dma_wait3A_44 : memref<1x100x100xi32, #tpu.memory_space<hbm>> -> memref<100x100xi32, #tpu.memory_space<hbm>>
      %dma_wait3A_46 = arith.constant 0 : i32
      %dma_wait3A_47 = arith.constant 0 : i32
      %dma_wait3A_48 = tpu.memref_slice %arg4[%add3A, %dma_wait3A_46, %dma_wait3A_47] : memref<32x100x100xi32, #tpu.memory_space<hbm>> -> memref<1x100x100xi32, #tpu.memory_space<hbm>>
      %dma_wait3A_49 = tpu.memref_squeeze %dma_wait3A_48 : memref<1x100x100xi32, #tpu.memory_space<hbm>> -> memref<100x100xi32, #tpu.memory_space<hbm>>
      tpu.wait_dma2 semaphore(%run_scoped3A : memref<!tpu.dma_semaphore, #tpu.memory_space<semaphore_mem>>) src(%dma_wait3A_49 : memref<100x100xi32, #tpu.memory_space<hbm>>) dst(%arg8 : memref<100x100xi32, #tpu.memory_space<vmem>>)
      tpu.yield
    }) : () -> ()
    %barrier3A = arith.constant 0 : index
    tpu.barrier barrier_id(%barrier3A)
    %dma_start3A_21 = arith.constant 0 : i32
    %dma_start3A_22 = arith.constant 0 : i32
    %dma_start3A_23 = tpu.memref_slice %arg7[%dma_start3A_21, %dma_start3A_22] : memref<100x100xi32, #tpu.memory_space<vmem>> -> memref<1x100xi32, #tpu.memory_space<vmem>>
    %dma_start3A_24 = tpu.memref_squeeze %dma_start3A_23 : memref<1x100xi32, #tpu.memory_space<vmem>> -> memref<100xi32, #tpu.memory_space<vmem>>
    %dma_start3A_25 = arith.constant 0 : i32
    %dma_start3A_26 = arith.constant 0 : i32
    %dma_start3A_27 = tpu.memref_slice %arg2[%dma_start3A_25, %dma_start3A_26] : memref<10240x128xf32, #tpu.memory_space<hbm>> -> memref<10240x128xf32, #tpu.memory_space<hbm>>
    tpu.enqueue_indirect_dma source(%dma_start3A_27 : memref<10240x128xf32, #tpu.memory_space<hbm>>) target(%arg9 : memref<100x128xf32, #tpu.memory_space<vmem>>) offsets(%dma_start3A_24 : memref<100xi32, #tpu.memory_space<vmem>>) semaphore(%arg12 : memref<!tpu.dma_semaphore, #tpu.memory_space<semaphore_mem>>)
    %scan3A_28 = arith.constant 0 : i32
    %scan3A_29 = arith.constant 50 : i32
    %scan3A_30 = arith.addi %scan3A_28, %scan3A_29 : i32
    %scan3A_31 = arith.constant 1 : i32
    scf.for %scan3A_34 = %scan3A_28 to %scan3A_30 step %scan3A_31  : i32 {
      %mul3A_35 = arith.constant 2 : i32
      %mul3A_36 = arith.muli %scan3A_34, %mul3A_35 : i32
      %add3A_37 = arith.constant 0 : i32
      %add3A_38 = arith.addi %add3A_37, %mul3A_36 : i32
      %add3A_39 = arith.constant 0 : i32
      %add3A_40 = arith.addi %add3A_38, %add3A_39 : i32
      %add3A_41 = arith.constant 1 : i32
      %add3A_42 = arith.addi %add3A_40, %add3A_41 : i32
      %lt3A = arith.constant 100 : i32
      %lt3A_43 = arith.cmpi slt, %add3A_42, %lt3A : i32
      %convert_element_type3A = arith.extui %lt3A_43 : i1 to i32
      %cond3A = arith.constant 0 : i32
      %cond3A_44 = arith.cmpi ne, %convert_element_type3A, %cond3A : i32
      scf.if %cond3A_44 {
        %add3A_66 = arith.constant 1 : i32
        %add3A_67 = arith.addi %add3A_40, %add3A_66 : i32
        %dma_start3A_68 = arith.constant 0 : i32
        %dma_start3A_69 = tpu.memref_slice %arg7[%add3A_67, %dma_start3A_68] : memref<100x100xi32, #tpu.memory_space<vmem>> -> memref<1x100xi32, #tpu.memory_space<vmem>>
        %dma_start3A_70 = tpu.memref_squeeze %dma_start3A_69 : memref<1x100xi32, #tpu.memory_space<vmem>> -> memref<100xi32, #tpu.memory_space<vmem>>
        %dma_start3A_71 = arith.constant 0 : i32
        %dma_start3A_72 = arith.constant 0 : i32
        %dma_start3A_73 = tpu.memref_slice %arg2[%dma_start3A_71, %dma_start3A_72] : memref<10240x128xf32, #tpu.memory_space<hbm>> -> memref<10240x128xf32, #tpu.memory_space<hbm>>
        tpu.enqueue_indirect_dma source(%dma_start3A_73 : memref<10240x128xf32, #tpu.memory_space<hbm>>) target(%arg10 : memref<100x128xf32, #tpu.memory_space<vmem>>) offsets(%dma_start3A_70 : memref<100xi32, #tpu.memory_space<vmem>>) semaphore(%arg13 : memref<!tpu.dma_semaphore, #tpu.memory_space<semaphore_mem>>)
      } else {
      }
      %dma_wait3A_45 = arith.constant 0 : i32
      %dma_wait3A_46 = tpu.memref_slice %arg7[%add3A_40, %dma_wait3A_45] : memref<100x100xi32, #tpu.memory_space<vmem>> -> memref<1x100xi32, #tpu.memory_space<vmem>>
      %dma_wait3A_47 = tpu.memref_squeeze %dma_wait3A_46 : memref<1x100xi32, #tpu.memory_space<vmem>> -> memref<100xi32, #tpu.memory_space<vmem>>
      %dma_wait3A_48 = arith.constant 0 : i32
      %dma_wait3A_49 = arith.constant 0 : i32
      %dma_wait3A_50 = tpu.memref_slice %arg2[%dma_wait3A_48, %dma_wait3A_49] : memref<10240x128xf32, #tpu.memory_space<hbm>> -> memref<10240x128xf32, #tpu.memory_space<hbm>>
      tpu.wait_indirect_dma semaphore(%arg12 : memref<!tpu.dma_semaphore, #tpu.memory_space<semaphore_mem>>) src(%dma_wait3A_50 : memref<10240x128xf32, #tpu.memory_space<hbm>>) dst(%arg9 : memref<100x128xf32, #tpu.memory_space<vmem>>)
      "tpu.region"() ({
        %run_scoped3A = tpu.sem_alloc : memref<!tpu.dma_semaphore, #tpu.memory_space<semaphore_mem>>
        %dma_start3A_66 = arith.constant 0 : i32
        %dma_start3A_67 = tpu.memref_slice %arg8[%add3A_40, %dma_start3A_66] : memref<100x100xi32, #tpu.memory_space<vmem>> -> memref<1x100xi32, #tpu.memory_space<vmem>>
        %dma_start3A_68 = tpu.memref_squeeze %dma_start3A_67 : memref<1x100xi32, #tpu.memory_space<vmem>> -> memref<100xi32, #tpu.memory_space<vmem>>
        %dma_start3A_69 = arith.constant 0 : i32
        %dma_start3A_70 = arith.constant 0 : i32
        %dma_start3A_71 = tpu.memref_slice %arg11[%dma_start3A_69, %dma_start3A_70] : memref<10240x128xf32, #tpu.memory_space<vmem_shared>> -> memref<10240x128xf32, #tpu.memory_space<vmem_shared>>
        tpu.enqueue_indirect_dma source(%arg9 : memref<100x128xf32, #tpu.memory_space<vmem>>) target(%dma_start3A_71 : memref<10240x128xf32, #tpu.memory_space<vmem_shared>>) offsets(%dma_start3A_68 : memref<100xi32, #tpu.memory_space<vmem>>) semaphore(%run_scoped3A : memref<!tpu.dma_semaphore, #tpu.memory_space<semaphore_mem>>) {add = true}
        %dma_wait3A_72 = arith.constant 0 : i32
        %dma_wait3A_73 = tpu.memref_slice %arg8[%add3A_40, %dma_wait3A_72] : memref<100x100xi32, #tpu.memory_space<vmem>> -> memref<1x100xi32, #tpu.memory_space<vmem>>
        %dma_wait3A_74 = tpu.memref_squeeze %dma_wait3A_73 : memref<1x100xi32, #tpu.memory_space<vmem>> -> memref<100xi32, #tpu.memory_space<vmem>>
        %dma_wait3A_75 = arith.constant 0 : i32
        %dma_wait3A_76 = arith.constant 0 : i32
        %dma_wait3A_77 = tpu.memref_slice %arg11[%dma_wait3A_75, %dma_wait3A_76] : memref<10240x128xf32, #tpu.memory_space<vmem_shared>> -> memref<10240x128xf32, #tpu.memory_space<vmem_shared>>
        tpu.wait_indirect_dma semaphore(%run_scoped3A : memref<!tpu.dma_semaphore, #tpu.memory_space<semaphore_mem>>) src(%arg9 : memref<100x128xf32, #tpu.memory_space<vmem>>) dst(%dma_wait3A_77 : memref<10240x128xf32, #tpu.memory_space<vmem_shared>>)
        tpu.yield
      }) : () -> ()
      %add3A_51 = arith.constant 1 : i32
      %add3A_52 = arith.addi %add3A_38, %add3A_51 : i32
      %add3A_53 = arith.constant 1 : i32
      %add3A_54 = arith.addi %add3A_52, %add3A_53 : i32
      %lt3A_55 = arith.constant 100 : i32
      %lt3A_56 = arith.cmpi slt, %add3A_54, %lt3A_55 : i32
      %convert_element_type3A_57 = arith.extui %lt3A_56 : i1 to i32
      %cond3A_58 = arith.constant 0 : i32
      %cond3A_59 = arith.cmpi ne, %convert_element_type3A_57, %cond3A_58 : i32
      scf.if %cond3A_59 {
        %add3A_66 = arith.constant 1 : i32
        %add3A_67 = arith.addi %add3A_52, %add3A_66 : i32
        %dma_start3A_68 = arith.constant 0 : i32
        %dma_start3A_69 = tpu.memref_slice %arg7[%add3A_67, %dma_start3A_68] : memref<100x100xi32, #tpu.memory_space<vmem>> -> memref<1x100xi32, #tpu.memory_space<vmem>>
        %dma_start3A_70 = tpu.memref_squeeze %dma_start3A_69 : memref<1x100xi32, #tpu.memory_space<vmem>> -> memref<100xi32, #tpu.memory_space<vmem>>
        %dma_start3A_71 = arith.constant 0 : i32
        %dma_start3A_72 = arith.constant 0 : i32
        %dma_start3A_73 = tpu.memref_slice %arg2[%dma_start3A_71, %dma_start3A_72] : memref<10240x128xf32, #tpu.memory_space<hbm>> -> memref<10240x128xf32, #tpu.memory_space<hbm>>
        tpu.enqueue_indirect_dma source(%dma_start3A_73 : memref<10240x128xf32, #tpu.memory_space<hbm>>) target(%arg9 : memref<100x128xf32, #tpu.memory_space<vmem>>) offsets(%dma_start3A_70 : memref<100xi32, #tpu.memory_space<vmem>>) semaphore(%arg12 : memref<!tpu.dma_semaphore, #tpu.memory_space<semaphore_mem>>)
      } else {
      }
      %dma_wait3A_60 = arith.constant 0 : i32
      %dma_wait3A_61 = tpu.memref_slice %arg7[%add3A_52, %dma_wait3A_60] : memref<100x100xi32, #tpu.memory_space<vmem>> -> memref<1x100xi32, #tpu.memory_space<vmem>>
      %dma_wait3A_62 = tpu.memref_squeeze %dma_wait3A_61 : memref<1x100xi32, #tpu.memory_space<vmem>> -> memref<100xi32, #tpu.memory_space<vmem>>
      %dma_wait3A_63 = arith.constant 0 : i32
      %dma_wait3A_64 = arith.constant 0 : i32
      %dma_wait3A_65 = tpu.memref_slice %arg2[%dma_wait3A_63, %dma_wait3A_64] : memref<10240x128xf32, #tpu.memory_space<hbm>> -> memref<10240x128xf32, #tpu.memory_space<hbm>>
      tpu.wait_indirect_dma semaphore(%arg13 : memref<!tpu.dma_semaphore, #tpu.memory_space<semaphore_mem>>) src(%dma_wait3A_65 : memref<10240x128xf32, #tpu.memory_space<hbm>>) dst(%arg10 : memref<100x128xf32, #tpu.memory_space<vmem>>)
      "tpu.region"() ({
        %run_scoped3A = tpu.sem_alloc : memref<!tpu.dma_semaphore, #tpu.memory_space<semaphore_mem>>
        %dma_start3A_66 = arith.constant 0 : i32
        %dma_start3A_67 = tpu.memref_slice %arg8[%add3A_52, %dma_start3A_66] : memref<100x100xi32, #tpu.memory_space<vmem>> -> memref<1x100xi32, #tpu.memory_space<vmem>>
        %dma_start3A_68 = tpu.memref_squeeze %dma_start3A_67 : memref<1x100xi32, #tpu.memory_space<vmem>> -> memref<100xi32, #tpu.memory_space<vmem>>
        %dma_start3A_69 = arith.constant 0 : i32
        %dma_start3A_70 = arith.constant 0 : i32
        %dma_start3A_71 = tpu.memref_slice %arg11[%dma_start3A_69, %dma_start3A_70] : memref<10240x128xf32, #tpu.memory_space<vmem_shared>> -> memref<10240x128xf32, #tpu.memory_space<vmem_shared>>
        tpu.enqueue_indirect_dma source(%arg10 : memref<100x128xf32, #tpu.memory_space<vmem>>) target(%dma_start3A_71 : memref<10240x128xf32, #tpu.memory_space<vmem_shared>>) offsets(%dma_start3A_68 : memref<100xi32, #tpu.memory_space<vmem>>) semaphore(%run_scoped3A : memref<!tpu.dma_semaphore, #tpu.memory_space<semaphore_mem>>) {add = true}
        %dma_wait3A_72 = arith.constant 0 : i32
        %dma_wait3A_73 = tpu.memref_slice %arg8[%add3A_52, %dma_wait3A_72] : memref<100x100xi32, #tpu.memory_space<vmem>> -> memref<1x100xi32, #tpu.memory_space<vmem>>
        %dma_wait3A_74 = tpu.memref_squeeze %dma_wait3A_73 : memref<1x100xi32, #tpu.memory_space<vmem>> -> memref<100xi32, #tpu.memory_space<vmem>>
        %dma_wait3A_75 = arith.constant 0 : i32
        %dma_wait3A_76 = arith.constant 0 : i32
        %dma_wait3A_77 = tpu.memref_slice %arg11[%dma_wait3A_75, %dma_wait3A_76] : memref<10240x128xf32, #tpu.memory_space<vmem_shared>> -> memref<10240x128xf32, #tpu.memory_space<vmem_shared>>
        tpu.wait_indirect_dma semaphore(%run_scoped3A : memref<!tpu.dma_semaphore, #tpu.memory_space<semaphore_mem>>) src(%arg10 : memref<100x128xf32, #tpu.memory_space<vmem>>) dst(%dma_wait3A_77 : memref<10240x128xf32, #tpu.memory_space<vmem_shared>>)
        tpu.yield
      }) : () -> ()
    }
    %scan3A_32 = arith.constant 50 : i32
    %barrier3A_33 = arith.constant 0 : index
    tpu.barrier barrier_id(%barrier3A_33)
    "tpu.region"() ({
      %run_scoped3A = tpu.sem_alloc : memref<!tpu.dma_semaphore, #tpu.memory_space<semaphore_mem>>
      %dma_start3A_34 = arith.constant 0 : i32
      %dma_start3A_35 = tpu.memref_slice %arg6[%arg0, %mul3A_2, %dma_start3A_34] : memref<2x10240x128xf32, #tpu.memory_space<hbm>> -> memref<1x640x128xf32, #tpu.memory_space<hbm>>
      %dma_start3A_36 = tpu.memref_squeeze %dma_start3A_35 : memref<1x640x128xf32, #tpu.memory_space<hbm>> -> memref<640x128xf32, #tpu.memory_space<hbm>>
      %dma_start3A_37 = arith.constant 0 : i32
      %dma_start3A_38 = tpu.memref_slice %arg11[%mul3A_2, %dma_start3A_37] : memref<10240x128xf32, #tpu.memory_space<vmem_shared>> -> memref<640x128xf32, #tpu.memory_space<vmem_shared>>
      tpu.enqueue_dma source(%dma_start3A_38 : memref<640x128xf32, #tpu.memory_space<vmem_shared>>) target(%dma_start3A_36 : memref<640x128xf32, #tpu.memory_space<hbm>>) target_semaphore(%run_scoped3A : memref<!tpu.dma_semaphore, #tpu.memory_space<semaphore_mem>>)
      %dma_wait3A_39 = arith.constant 0 : i32
      %dma_wait3A_40 = tpu.memref_slice %arg6[%arg0, %mul3A_2, %dma_wait3A_39] : memref<2x10240x128xf32, #tpu.memory_space<hbm>> -> memref<1x640x128xf32, #tpu.memory_space<hbm>>
      %dma_wait3A_41 = tpu.memref_squeeze %dma_wait3A_40 : memref<1x640x128xf32, #tpu.memory_space<hbm>> -> memref<640x128xf32, #tpu.memory_space<hbm>>
      %dma_wait3A_42 = arith.constant 0 : i32
      %dma_wait3A_43 = tpu.memref_slice %arg11[%mul3A_2, %dma_wait3A_42] : memref<10240x128xf32, #tpu.memory_space<vmem_shared>> -> memref<640x128xf32, #tpu.memory_space<vmem_shared>>
      tpu.wait_dma2 semaphore(%run_scoped3A : memref<!tpu.dma_semaphore, #tpu.memory_space<semaphore_mem>>) src(%dma_wait3A_43 : memref<640x128xf32, #tpu.memory_space<vmem_shared>>) dst(%dma_wait3A_41 : memref<640x128xf32, #tpu.memory_space<hbm>>)
      tpu.yield
    }) : () -> ()
    return
  }
}

#map = affine_map<(d0, d1) -> (0, 0, 0)>
#map1 = affine_map<(d0, d1) -> (0, 0)>
module attributes {stable_mosaic.version = 14 : i64} {
  func.func @_sc_degree(%arg0: i32, %arg1: i32, %arg2: memref<32x100x100xi32, #tpu.memory_space<hbm>>, %arg3: memref<100x8xf32, #tpu.memory_space<hbm>>, %arg4: memref<2x10240x8xf32, #tpu.memory_space<hbm>>, %arg5: memref<100x100xi32, #tpu.memory_space<vmem>>, %arg6: memref<100x8xf32, #tpu.memory_space<vmem>>, %arg7: memref<10240x8xf32, #tpu.memory_space<vmem_shared>>, %arg8: memref<!tpu.dma_semaphore, #tpu.memory_space<semaphore_mem>>, %arg9: memref<!tpu.dma_semaphore, #tpu.memory_space<semaphore_mem>>) attributes {dimension_semantics = [#tpu.dimension_semantics<core_parallel>, #tpu.dimension_semantics<subcore_parallel>], iteration_bounds = array<i64: 2, 16>, scalar_prefetch = 0 : i64, scratch_operands = 5 : i64, tpu.core_type = #tpu.core_type<sc_vector_subcore>, window_params = [{transform_indices = #map}, {transform_indices = #map1}, {transform_indices = #map}]} {
    %mul3A = arith.constant 2 : i32
    %mul3A_0 = arith.muli %arg1, %mul3A : i32
    %add3A = arith.addi %mul3A_0, %arg0 : i32
    %mul3A_1 = arith.constant 640 : i32
    %mul3A_2 = arith.muli %arg1, %mul3A_1 : i32
    %dma_start3A = arith.constant 0 : i32
    %dma_start3A_3 = arith.constant 0 : i32
    %dma_start3A_4 = tpu.memref_slice %arg2[%add3A, %dma_start3A, %dma_start3A_3] : memref<32x100x100xi32, #tpu.memory_space<hbm>> -> memref<1x100x100xi32, #tpu.memory_space<hbm>>
    %dma_start3A_5 = tpu.memref_squeeze %dma_start3A_4 : memref<1x100x100xi32, #tpu.memory_space<hbm>> -> memref<100x100xi32, #tpu.memory_space<hbm>>
    %dma_start3A_6 = arith.constant 0 : i32
    %dma_start3A_7 = arith.constant 0 : i32
    %dma_start3A_8 = tpu.memref_slice %arg2[%add3A, %dma_start3A_6, %dma_start3A_7] : memref<32x100x100xi32, #tpu.memory_space<hbm>> -> memref<1x100x100xi32, #tpu.memory_space<hbm>>
    %dma_start3A_9 = tpu.memref_squeeze %dma_start3A_8 : memref<1x100x100xi32, #tpu.memory_space<hbm>> -> memref<100x100xi32, #tpu.memory_space<hbm>>
    tpu.enqueue_dma source(%dma_start3A_9 : memref<100x100xi32, #tpu.memory_space<hbm>>) target(%arg5 : memref<100x100xi32, #tpu.memory_space<vmem>>) target_semaphore(%arg8 : memref<!tpu.dma_semaphore, #tpu.memory_space<semaphore_mem>>)
    "tpu.region"() ({
      %run_scoped3A = tpu.sem_alloc : memref<!tpu.dma_semaphore, #tpu.memory_space<semaphore_mem>>
      tpu.enqueue_dma source(%arg3 : memref<100x8xf32, #tpu.memory_space<hbm>>) target(%arg6 : memref<100x8xf32, #tpu.memory_space<vmem>>) target_semaphore(%run_scoped3A : memref<!tpu.dma_semaphore, #tpu.memory_space<semaphore_mem>>)
      tpu.wait_dma2 semaphore(%run_scoped3A : memref<!tpu.dma_semaphore, #tpu.memory_space<semaphore_mem>>) src(%arg3 : memref<100x8xf32, #tpu.memory_space<hbm>>) dst(%arg6 : memref<100x8xf32, #tpu.memory_space<vmem>>)
      tpu.yield
    }) : () -> ()
    %scan3A = arith.constant 0 : i32
    %scan3A_10 = arith.constant 16 : i32
    %scan3A_11 = arith.addi %scan3A, %scan3A_10 : i32
    %scan3A_12 = arith.constant 1 : i32
    scf.for %scan3A_41 = %scan3A to %scan3A_11 step %scan3A_12  : i32 {
      %mul3A_42 = arith.constant 40 : i32
      %mul3A_43 = arith.muli %scan3A_41, %mul3A_42 : i32
      %add3A_44 = arith.constant 0 : i32
      %add3A_45 = arith.addi %add3A_44, %mul3A_43 : i32
      %add3A_46 = arith.addi %mul3A_2, %add3A_45 : i32
      "tpu.region"() ({
        %run_scoped3A = tpu.sem_alloc : memref<!tpu.dma_semaphore, #tpu.memory_space<semaphore_mem>>
        %dma_start3A_47 = arith.constant 0 : i32
        %dma_start3A_48 = arith.constant 0 : i32
        %dma_start3A_49 = tpu.memref_slice %arg6[%dma_start3A_47, %dma_start3A_48] : memref<100x8xf32, #tpu.memory_space<vmem>> -> memref<40x8xf32, #tpu.memory_space<vmem>>
        %dma_start3A_50 = arith.constant 0 : i32
        %dma_start3A_51 = tpu.memref_slice %arg7[%add3A_46, %dma_start3A_50] : memref<10240x8xf32, #tpu.memory_space<vmem_shared>> -> memref<40x8xf32, #tpu.memory_space<vmem_shared>>
        %dma_start3A_52 = arith.constant 0 : i32
        %dma_start3A_53 = tpu.memref_slice %arg7[%add3A_46, %dma_start3A_52] : memref<10240x8xf32, #tpu.memory_space<vmem_shared>> -> memref<40x8xf32, #tpu.memory_space<vmem_shared>>
        %dma_start3A_54 = arith.constant 0 : i32
        %dma_start3A_55 = arith.constant 0 : i32
        %dma_start3A_56 = tpu.memref_slice %arg6[%dma_start3A_54, %dma_start3A_55] : memref<100x8xf32, #tpu.memory_space<vmem>> -> memref<40x8xf32, #tpu.memory_space<vmem>>
        tpu.enqueue_dma source(%dma_start3A_56 : memref<40x8xf32, #tpu.memory_space<vmem>>) target(%dma_start3A_53 : memref<40x8xf32, #tpu.memory_space<vmem_shared>>) target_semaphore(%run_scoped3A : memref<!tpu.dma_semaphore, #tpu.memory_space<semaphore_mem>>)
        %dma_wait3A_57 = arith.constant 0 : i32
        %dma_wait3A_58 = arith.constant 0 : i32
        %dma_wait3A_59 = tpu.memref_slice %arg6[%dma_wait3A_57, %dma_wait3A_58] : memref<100x8xf32, #tpu.memory_space<vmem>> -> memref<40x8xf32, #tpu.memory_space<vmem>>
        %dma_wait3A_60 = arith.constant 0 : i32
        %dma_wait3A_61 = tpu.memref_slice %arg7[%add3A_46, %dma_wait3A_60] : memref<10240x8xf32, #tpu.memory_space<vmem_shared>> -> memref<40x8xf32, #tpu.memory_space<vmem_shared>>
        %dma_wait3A_62 = arith.constant 0 : i32
        %dma_wait3A_63 = tpu.memref_slice %arg7[%add3A_46, %dma_wait3A_62] : memref<10240x8xf32, #tpu.memory_space<vmem_shared>> -> memref<40x8xf32, #tpu.memory_space<vmem_shared>>
        %dma_wait3A_64 = arith.constant 0 : i32
        %dma_wait3A_65 = arith.constant 0 : i32
        %dma_wait3A_66 = tpu.memref_slice %arg6[%dma_wait3A_64, %dma_wait3A_65] : memref<100x8xf32, #tpu.memory_space<vmem>> -> memref<40x8xf32, #tpu.memory_space<vmem>>
        tpu.wait_dma2 semaphore(%run_scoped3A : memref<!tpu.dma_semaphore, #tpu.memory_space<semaphore_mem>>) src(%dma_wait3A_66 : memref<40x8xf32, #tpu.memory_space<vmem>>) dst(%dma_wait3A_63 : memref<40x8xf32, #tpu.memory_space<vmem_shared>>)
        tpu.yield
      }) : () -> ()
    }
    %scan3A_13 = arith.constant 16 : i32
    %dma_wait3A = arith.constant 0 : i32
    %dma_wait3A_14 = arith.constant 0 : i32
    %dma_wait3A_15 = tpu.memref_slice %arg2[%add3A, %dma_wait3A, %dma_wait3A_14] : memref<32x100x100xi32, #tpu.memory_space<hbm>> -> memref<1x100x100xi32, #tpu.memory_space<hbm>>
    %dma_wait3A_16 = tpu.memref_squeeze %dma_wait3A_15 : memref<1x100x100xi32, #tpu.memory_space<hbm>> -> memref<100x100xi32, #tpu.memory_space<hbm>>
    %dma_wait3A_17 = arith.constant 0 : i32
    %dma_wait3A_18 = arith.constant 0 : i32
    %dma_wait3A_19 = tpu.memref_slice %arg2[%add3A, %dma_wait3A_17, %dma_wait3A_18] : memref<32x100x100xi32, #tpu.memory_space<hbm>> -> memref<1x100x100xi32, #tpu.memory_space<hbm>>
    %dma_wait3A_20 = tpu.memref_squeeze %dma_wait3A_19 : memref<1x100x100xi32, #tpu.memory_space<hbm>> -> memref<100x100xi32, #tpu.memory_space<hbm>>
    tpu.wait_dma2 semaphore(%arg8 : memref<!tpu.dma_semaphore, #tpu.memory_space<semaphore_mem>>) src(%dma_wait3A_20 : memref<100x100xi32, #tpu.memory_space<hbm>>) dst(%arg5 : memref<100x100xi32, #tpu.memory_space<vmem>>)
    %barrier3A = arith.constant 0 : index
    tpu.barrier barrier_id(%barrier3A)
    %scan3A_21 = arith.constant 0 : i32
    %scan3A_22 = arith.constant 50 : i32
    %scan3A_23 = arith.addi %scan3A_21, %scan3A_22 : i32
    %scan3A_24 = arith.constant 1 : i32
    scf.for %scan3A_41 = %scan3A_21 to %scan3A_23 step %scan3A_24  : i32 {
      %mul3A_42 = arith.constant 2 : i32
      %mul3A_43 = arith.muli %scan3A_41, %mul3A_42 : i32
      %add3A_44 = arith.constant 0 : i32
      %add3A_45 = arith.addi %add3A_44, %mul3A_43 : i32
      %add3A_46 = arith.constant 0 : i32
      %add3A_47 = arith.addi %add3A_45, %add3A_46 : i32
      %ge3A = arith.constant 2 : i32
      %ge3A_48 = arith.cmpi sge, %add3A_47, %ge3A : i32
      %convert_element_type3A = arith.extui %ge3A_48 : i1 to i32
      %cond3A = arith.constant 0 : i32
      %cond3A_49 = arith.cmpi ne, %convert_element_type3A, %cond3A : i32
      scf.if %cond3A_49 {
        %sub3A = arith.constant 2 : i32
        %sub3A_69 = arith.subi %add3A_47, %sub3A : i32
        %dma_wait3A_70 = arith.constant 0 : i32
        %dma_wait3A_71 = tpu.memref_slice %arg5[%sub3A_69, %dma_wait3A_70] : memref<100x100xi32, #tpu.memory_space<vmem>> -> memref<1x100xi32, #tpu.memory_space<vmem>>
        %dma_wait3A_72 = tpu.memref_squeeze %dma_wait3A_71 : memref<1x100xi32, #tpu.memory_space<vmem>> -> memref<100xi32, #tpu.memory_space<vmem>>
        %dma_wait3A_73 = arith.constant 0 : i32
        %dma_wait3A_74 = arith.constant 0 : i32
        %dma_wait3A_75 = tpu.memref_slice %arg7[%dma_wait3A_73, %dma_wait3A_74] : memref<10240x8xf32, #tpu.memory_space<vmem_shared>> -> memref<10240x8xf32, #tpu.memory_space<vmem_shared>>
        tpu.wait_indirect_dma semaphore(%arg8 : memref<!tpu.dma_semaphore, #tpu.memory_space<semaphore_mem>>) src(%arg6 : memref<100x8xf32, #tpu.memory_space<vmem>>) dst(%dma_wait3A_75 : memref<10240x8xf32, #tpu.memory_space<vmem_shared>>)
      } else {
      }
      %dma_start3A_50 = arith.constant 0 : i32
      %dma_start3A_51 = tpu.memref_slice %arg5[%add3A_47, %dma_start3A_50] : memref<100x100xi32, #tpu.memory_space<vmem>> -> memref<1x100xi32, #tpu.memory_space<vmem>>
      %dma_start3A_52 = tpu.memref_squeeze %dma_start3A_51 : memref<1x100xi32, #tpu.memory_space<vmem>> -> memref<100xi32, #tpu.memory_space<vmem>>
      %dma_start3A_53 = arith.constant 0 : i32
      %dma_start3A_54 = arith.constant 0 : i32
      %dma_start3A_55 = tpu.memref_slice %arg7[%dma_start3A_53, %dma_start3A_54] : memref<10240x8xf32, #tpu.memory_space<vmem_shared>> -> memref<10240x8xf32, #tpu.memory_space<vmem_shared>>
      tpu.enqueue_indirect_dma source(%arg6 : memref<100x8xf32, #tpu.memory_space<vmem>>) target(%dma_start3A_55 : memref<10240x8xf32, #tpu.memory_space<vmem_shared>>) offsets(%dma_start3A_52 : memref<100xi32, #tpu.memory_space<vmem>>) semaphore(%arg8 : memref<!tpu.dma_semaphore, #tpu.memory_space<semaphore_mem>>) {add = true}
      %add3A_56 = arith.constant 1 : i32
      %add3A_57 = arith.addi %add3A_45, %add3A_56 : i32
      %ge3A_58 = arith.constant 2 : i32
      %ge3A_59 = arith.cmpi sge, %add3A_57, %ge3A_58 : i32
      %convert_element_type3A_60 = arith.extui %ge3A_59 : i1 to i32
      %cond3A_61 = arith.constant 0 : i32
      %cond3A_62 = arith.cmpi ne, %convert_element_type3A_60, %cond3A_61 : i32
      scf.if %cond3A_62 {
        %sub3A = arith.constant 2 : i32
        %sub3A_69 = arith.subi %add3A_57, %sub3A : i32
        %dma_wait3A_70 = arith.constant 0 : i32
        %dma_wait3A_71 = tpu.memref_slice %arg5[%sub3A_69, %dma_wait3A_70] : memref<100x100xi32, #tpu.memory_space<vmem>> -> memref<1x100xi32, #tpu.memory_space<vmem>>
        %dma_wait3A_72 = tpu.memref_squeeze %dma_wait3A_71 : memref<1x100xi32, #tpu.memory_space<vmem>> -> memref<100xi32, #tpu.memory_space<vmem>>
        %dma_wait3A_73 = arith.constant 0 : i32
        %dma_wait3A_74 = arith.constant 0 : i32
        %dma_wait3A_75 = tpu.memref_slice %arg7[%dma_wait3A_73, %dma_wait3A_74] : memref<10240x8xf32, #tpu.memory_space<vmem_shared>> -> memref<10240x8xf32, #tpu.memory_space<vmem_shared>>
        tpu.wait_indirect_dma semaphore(%arg9 : memref<!tpu.dma_semaphore, #tpu.memory_space<semaphore_mem>>) src(%arg6 : memref<100x8xf32, #tpu.memory_space<vmem>>) dst(%dma_wait3A_75 : memref<10240x8xf32, #tpu.memory_space<vmem_shared>>)
      } else {
      }
      %dma_start3A_63 = arith.constant 0 : i32
      %dma_start3A_64 = tpu.memref_slice %arg5[%add3A_57, %dma_start3A_63] : memref<100x100xi32, #tpu.memory_space<vmem>> -> memref<1x100xi32, #tpu.memory_space<vmem>>
      %dma_start3A_65 = tpu.memref_squeeze %dma_start3A_64 : memref<1x100xi32, #tpu.memory_space<vmem>> -> memref<100xi32, #tpu.memory_space<vmem>>
      %dma_start3A_66 = arith.constant 0 : i32
      %dma_start3A_67 = arith.constant 0 : i32
      %dma_start3A_68 = tpu.memref_slice %arg7[%dma_start3A_66, %dma_start3A_67] : memref<10240x8xf32, #tpu.memory_space<vmem_shared>> -> memref<10240x8xf32, #tpu.memory_space<vmem_shared>>
      tpu.enqueue_indirect_dma source(%arg6 : memref<100x8xf32, #tpu.memory_space<vmem>>) target(%dma_start3A_68 : memref<10240x8xf32, #tpu.memory_space<vmem_shared>>) offsets(%dma_start3A_65 : memref<100xi32, #tpu.memory_space<vmem>>) semaphore(%arg9 : memref<!tpu.dma_semaphore, #tpu.memory_space<semaphore_mem>>) {add = true}
    }
    %scan3A_25 = arith.constant 50 : i32
    %dma_wait3A_26 = arith.constant 98 : i32
    %dma_wait3A_27 = arith.constant 0 : i32
    %dma_wait3A_28 = tpu.memref_slice %arg5[%dma_wait3A_26, %dma_wait3A_27] : memref<100x100xi32, #tpu.memory_space<vmem>> -> memref<1x100xi32, #tpu.memory_space<vmem>>
    %dma_wait3A_29 = tpu.memref_squeeze %dma_wait3A_28 : memref<1x100xi32, #tpu.memory_space<vmem>> -> memref<100xi32, #tpu.memory_space<vmem>>
    %dma_wait3A_30 = arith.constant 0 : i32
    %dma_wait3A_31 = arith.constant 0 : i32
    %dma_wait3A_32 = tpu.memref_slice %arg7[%dma_wait3A_30, %dma_wait3A_31] : memref<10240x8xf32, #tpu.memory_space<vmem_shared>> -> memref<10240x8xf32, #tpu.memory_space<vmem_shared>>
    tpu.wait_indirect_dma semaphore(%arg8 : memref<!tpu.dma_semaphore, #tpu.memory_space<semaphore_mem>>) src(%arg6 : memref<100x8xf32, #tpu.memory_space<vmem>>) dst(%dma_wait3A_32 : memref<10240x8xf32, #tpu.memory_space<vmem_shared>>)
    %dma_wait3A_33 = arith.constant 99 : i32
    %dma_wait3A_34 = arith.constant 0 : i32
    %dma_wait3A_35 = tpu.memref_slice %arg5[%dma_wait3A_33, %dma_wait3A_34] : memref<100x100xi32, #tpu.memory_space<vmem>> -> memref<1x100xi32, #tpu.memory_space<vmem>>
    %dma_wait3A_36 = tpu.memref_squeeze %dma_wait3A_35 : memref<1x100xi32, #tpu.memory_space<vmem>> -> memref<100xi32, #tpu.memory_space<vmem>>
    %dma_wait3A_37 = arith.constant 0 : i32
    %dma_wait3A_38 = arith.constant 0 : i32
    %dma_wait3A_39 = tpu.memref_slice %arg7[%dma_wait3A_37, %dma_wait3A_38] : memref<10240x8xf32, #tpu.memory_space<vmem_shared>> -> memref<10240x8xf32, #tpu.memory_space<vmem_shared>>
    tpu.wait_indirect_dma semaphore(%arg9 : memref<!tpu.dma_semaphore, #tpu.memory_space<semaphore_mem>>) src(%arg6 : memref<100x8xf32, #tpu.memory_space<vmem>>) dst(%dma_wait3A_39 : memref<10240x8xf32, #tpu.memory_space<vmem_shared>>)
    %barrier3A_40 = arith.constant 0 : index
    tpu.barrier barrier_id(%barrier3A_40)
    "tpu.region"() ({
      %run_scoped3A = tpu.sem_alloc : memref<!tpu.dma_semaphore, #tpu.memory_space<semaphore_mem>>
      %dma_start3A_41 = arith.constant 0 : i32
      %dma_start3A_42 = tpu.memref_slice %arg4[%arg0, %mul3A_2, %dma_start3A_41] : memref<2x10240x8xf32, #tpu.memory_space<hbm>> -> memref<1x640x8xf32, #tpu.memory_space<hbm>>
      %dma_start3A_43 = tpu.memref_squeeze %dma_start3A_42 : memref<1x640x8xf32, #tpu.memory_space<hbm>> -> memref<640x8xf32, #tpu.memory_space<hbm>>
      %dma_start3A_44 = arith.constant 0 : i32
      %dma_start3A_45 = tpu.memref_slice %arg7[%mul3A_2, %dma_start3A_44] : memref<10240x8xf32, #tpu.memory_space<vmem_shared>> -> memref<640x8xf32, #tpu.memory_space<vmem_shared>>
      tpu.enqueue_dma source(%dma_start3A_45 : memref<640x8xf32, #tpu.memory_space<vmem_shared>>) target(%dma_start3A_43 : memref<640x8xf32, #tpu.memory_space<hbm>>) target_semaphore(%run_scoped3A : memref<!tpu.dma_semaphore, #tpu.memory_space<semaphore_mem>>)
      %dma_wait3A_46 = arith.constant 0 : i32
      %dma_wait3A_47 = tpu.memref_slice %arg4[%arg0, %mul3A_2, %dma_wait3A_46] : memref<2x10240x8xf32, #tpu.memory_space<hbm>> -> memref<1x640x8xf32, #tpu.memory_space<hbm>>
      %dma_wait3A_48 = tpu.memref_squeeze %dma_wait3A_47 : memref<1x640x8xf32, #tpu.memory_space<hbm>> -> memref<640x8xf32, #tpu.memory_space<hbm>>
      %dma_wait3A_49 = arith.constant 0 : i32
      %dma_wait3A_50 = tpu.memref_slice %arg7[%mul3A_2, %dma_wait3A_49] : memref<10240x8xf32, #tpu.memory_space<vmem_shared>> -> memref<640x8xf32, #tpu.memory_space<vmem_shared>>
      tpu.wait_dma2 semaphore(%run_scoped3A : memref<!tpu.dma_semaphore, #tpu.memory_space<semaphore_mem>>) src(%dma_wait3A_50 : memref<640x8xf32, #tpu.memory_space<vmem_shared>>) dst(%dma_wait3A_48 : memref<640x8xf32, #tpu.memory_space<hbm>>)
      tpu.yield
    }) : () -> ()
    return
  }
}

#map = affine_map<(d0, d1) -> (0, 0)>
#map1 = affine_map<(d0, d1) -> (0, 0, 0)>
module attributes {stable_mosaic.version = 14 : i64} {
  func.func @agg(%arg0: i32, %arg1: i32, %arg2: memref<10240x40xf32, #tpu.memory_space<hbm>>, %arg3: memref<32x100x100xi32, #tpu.memory_space<hbm>>, %arg4: memref<32x100x100xi32, #tpu.memory_space<hbm>>, %arg5: memref<40x40xf32, #tpu.memory_space<hbm>>, %arg6: memref<2x10240x40xf32, #tpu.memory_space<hbm>>, %arg7: memref<100x100xi32, #tpu.memory_space<vmem>>, %arg8: memref<100x100xi32, #tpu.memory_space<vmem>>, %arg9: memref<100x40xf32, #tpu.memory_space<vmem>>, %arg10: memref<100x40xf32, #tpu.memory_space<vmem>>, %arg11: memref<100x40xf32, #tpu.memory_space<vmem>>, %arg12: memref<100x40xf32, #tpu.memory_space<vmem>>, %arg13: memref<10240x40xf32, #tpu.memory_space<vmem_shared>>, %arg14: memref<!tpu.dma_semaphore, #tpu.memory_space<semaphore_mem>>, %arg15: memref<!tpu.dma_semaphore, #tpu.memory_space<semaphore_mem>>, %arg16: memref<!tpu.dma_semaphore, #tpu.memory_space<semaphore_mem>>, %arg17: memref<!tpu.dma_semaphore, #tpu.memory_space<semaphore_mem>>, %arg18: memref<!tpu.dma_semaphore, #tpu.memory_space<semaphore_mem>>, %arg19: memref<!tpu.dma_semaphore, #tpu.memory_space<semaphore_mem>>, %arg20: memref<!tpu.dma_semaphore, #tpu.memory_space<semaphore_mem>>, %arg21: memref<!tpu.dma_semaphore, #tpu.memory_space<semaphore_mem>>, %arg22: memref<!tpu.dma_semaphore, #tpu.memory_space<semaphore_mem>>) attributes {dimension_semantics = [#tpu.dimension_semantics<core_parallel>, #tpu.dimension_semantics<subcore_parallel>], iteration_bounds = array<i64: 2, 16>, scalar_prefetch = 0 : i64, scratch_operands = 16 : i64, tpu.core_type = #tpu.core_type<sc_vector_subcore>, window_params = [{transform_indices = #map}, {transform_indices = #map1}, {transform_indices = #map1}, {transform_indices = #map}, {transform_indices = #map1}]} {
    %mul3A = arith.constant 2 : i32
    %mul3A_0 = arith.muli %arg1, %mul3A : i32
    %add3A = arith.addi %mul3A_0, %arg0 : i32
    %mul3A_1 = arith.constant 640 : i32
    %mul3A_2 = arith.muli %arg1, %mul3A_1 : i32
    %dma_start3A = arith.constant 0 : i32
    %dma_start3A_3 = arith.constant 0 : i32
    %dma_start3A_4 = tpu.memref_slice %arg3[%add3A, %dma_start3A, %dma_start3A_3] : memref<32x100x100xi32, #tpu.memory_space<hbm>> -> memref<1x100x100xi32, #tpu.memory_space<hbm>>
    %dma_start3A_5 = tpu.memref_squeeze %dma_start3A_4 : memref<1x100x100xi32, #tpu.memory_space<hbm>> -> memref<100x100xi32, #tpu.memory_space<hbm>>
    %dma_start3A_6 = arith.constant 0 : i32
    %dma_start3A_7 = arith.constant 0 : i32
    %dma_start3A_8 = tpu.memref_slice %arg3[%add3A, %dma_start3A_6, %dma_start3A_7] : memref<32x100x100xi32, #tpu.memory_space<hbm>> -> memref<1x100x100xi32, #tpu.memory_space<hbm>>
    %dma_start3A_9 = tpu.memref_squeeze %dma_start3A_8 : memref<1x100x100xi32, #tpu.memory_space<hbm>> -> memref<100x100xi32, #tpu.memory_space<hbm>>
    tpu.enqueue_dma source(%dma_start3A_9 : memref<100x100xi32, #tpu.memory_space<hbm>>) target(%arg7 : memref<100x100xi32, #tpu.memory_space<vmem>>) target_semaphore(%arg22 : memref<!tpu.dma_semaphore, #tpu.memory_space<semaphore_mem>>)
    "tpu.region"() ({
      %run_scoped3A = tpu.sem_alloc : memref<!tpu.dma_semaphore, #tpu.memory_space<semaphore_mem>>
      %dma_start3A_69 = arith.constant 0 : i32
      %dma_start3A_70 = arith.constant 0 : i32
      %dma_start3A_71 = tpu.memref_slice %arg9[%dma_start3A_69, %dma_start3A_70] : memref<100x40xf32, #tpu.memory_space<vmem>> -> memref<40x40xf32, #tpu.memory_space<vmem>>
      %dma_start3A_72 = arith.constant 0 : i32
      %dma_start3A_73 = arith.constant 0 : i32
      %dma_start3A_74 = tpu.memref_slice %arg9[%dma_start3A_72, %dma_start3A_73] : memref<100x40xf32, #tpu.memory_space<vmem>> -> memref<40x40xf32, #tpu.memory_space<vmem>>
      tpu.enqueue_dma source(%arg5 : memref<40x40xf32, #tpu.memory_space<hbm>>) target(%dma_start3A_74 : memref<40x40xf32, #tpu.memory_space<vmem>>) target_semaphore(%run_scoped3A : memref<!tpu.dma_semaphore, #tpu.memory_space<semaphore_mem>>)
      %dma_wait3A_75 = arith.constant 0 : i32
      %dma_wait3A_76 = arith.constant 0 : i32
      %dma_wait3A_77 = tpu.memref_slice %arg9[%dma_wait3A_75, %dma_wait3A_76] : memref<100x40xf32, #tpu.memory_space<vmem>> -> memref<40x40xf32, #tpu.memory_space<vmem>>
      %dma_wait3A_78 = arith.constant 0 : i32
      %dma_wait3A_79 = arith.constant 0 : i32
      %dma_wait3A_80 = tpu.memref_slice %arg9[%dma_wait3A_78, %dma_wait3A_79] : memref<100x40xf32, #tpu.memory_space<vmem>> -> memref<40x40xf32, #tpu.memory_space<vmem>>
      tpu.wait_dma2 semaphore(%run_scoped3A : memref<!tpu.dma_semaphore, #tpu.memory_space<semaphore_mem>>) src(%arg5 : memref<40x40xf32, #tpu.memory_space<hbm>>) dst(%dma_wait3A_80 : memref<40x40xf32, #tpu.memory_space<vmem>>)
      tpu.yield
    }) : () -> ()
    %scan3A = arith.constant 0 : i32
    %scan3A_10 = arith.constant 16 : i32
    %scan3A_11 = arith.addi %scan3A, %scan3A_10 : i32
    %scan3A_12 = arith.constant 1 : i32
    scf.for %scan3A_69 = %scan3A to %scan3A_11 step %scan3A_12  : i32 {
      %mul3A_70 = arith.constant 40 : i32
      %mul3A_71 = arith.muli %scan3A_69, %mul3A_70 : i32
      %add3A_72 = arith.constant 0 : i32
      %add3A_73 = arith.addi %add3A_72, %mul3A_71 : i32
      %add3A_74 = arith.addi %mul3A_2, %add3A_73 : i32
      "tpu.region"() ({
        %run_scoped3A = tpu.sem_alloc : memref<!tpu.dma_semaphore, #tpu.memory_space<semaphore_mem>>
        %dma_start3A_75 = arith.constant 0 : i32
        %dma_start3A_76 = arith.constant 0 : i32
        %dma_start3A_77 = tpu.memref_slice %arg9[%dma_start3A_75, %dma_start3A_76] : memref<100x40xf32, #tpu.memory_space<vmem>> -> memref<40x40xf32, #tpu.memory_space<vmem>>
        %dma_start3A_78 = arith.constant 0 : i32
        %dma_start3A_79 = tpu.memref_slice %arg13[%add3A_74, %dma_start3A_78] : memref<10240x40xf32, #tpu.memory_space<vmem_shared>> -> memref<40x40xf32, #tpu.memory_space<vmem_shared>>
        %dma_start3A_80 = arith.constant 0 : i32
        %dma_start3A_81 = tpu.memref_slice %arg13[%add3A_74, %dma_start3A_80] : memref<10240x40xf32, #tpu.memory_space<vmem_shared>> -> memref<40x40xf32, #tpu.memory_space<vmem_shared>>
        %dma_start3A_82 = arith.constant 0 : i32
        %dma_start3A_83 = arith.constant 0 : i32
        %dma_start3A_84 = tpu.memref_slice %arg9[%dma_start3A_82, %dma_start3A_83] : memref<100x40xf32, #tpu.memory_space<vmem>> -> memref<40x40xf32, #tpu.memory_space<vmem>>
        tpu.enqueue_dma source(%dma_start3A_84 : memref<40x40xf32, #tpu.memory_space<vmem>>) target(%dma_start3A_81 : memref<40x40xf32, #tpu.memory_space<vmem_shared>>) target_semaphore(%run_scoped3A : memref<!tpu.dma_semaphore, #tpu.memory_space<semaphore_mem>>)
        %dma_wait3A_85 = arith.constant 0 : i32
        %dma_wait3A_86 = arith.constant 0 : i32
        %dma_wait3A_87 = tpu.memref_slice %arg9[%dma_wait3A_85, %dma_wait3A_86] : memref<100x40xf32, #tpu.memory_space<vmem>> -> memref<40x40xf32, #tpu.memory_space<vmem>>
        %dma_wait3A_88 = arith.constant 0 : i32
        %dma_wait3A_89 = tpu.memref_slice %arg13[%add3A_74, %dma_wait3A_88] : memref<10240x40xf32, #tpu.memory_space<vmem_shared>> -> memref<40x40xf32, #tpu.memory_space<vmem_shared>>
        %dma_wait3A_90 = arith.constant 0 : i32
        %dma_wait3A_91 = tpu.memref_slice %arg13[%add3A_74, %dma_wait3A_90] : memref<10240x40xf32, #tpu.memory_space<vmem_shared>> -> memref<40x40xf32, #tpu.memory_space<vmem_shared>>
        %dma_wait3A_92 = arith.constant 0 : i32
        %dma_wait3A_93 = arith.constant 0 : i32
        %dma_wait3A_94 = tpu.memref_slice %arg9[%dma_wait3A_92, %dma_wait3A_93] : memref<100x40xf32, #tpu.memory_space<vmem>> -> memref<40x40xf32, #tpu.memory_space<vmem>>
        tpu.wait_dma2 semaphore(%run_scoped3A : memref<!tpu.dma_semaphore, #tpu.memory_space<semaphore_mem>>) src(%dma_wait3A_94 : memref<40x40xf32, #tpu.memory_space<vmem>>) dst(%dma_wait3A_91 : memref<40x40xf32, #tpu.memory_space<vmem_shared>>)
        tpu.yield
      }) : () -> ()
    }
    %scan3A_13 = arith.constant 16 : i32
    %dma_wait3A = arith.constant 0 : i32
    %dma_wait3A_14 = arith.constant 0 : i32
    %dma_wait3A_15 = tpu.memref_slice %arg3[%add3A, %dma_wait3A, %dma_wait3A_14] : memref<32x100x100xi32, #tpu.memory_space<hbm>> -> memref<1x100x100xi32, #tpu.memory_space<hbm>>
    %dma_wait3A_16 = tpu.memref_squeeze %dma_wait3A_15 : memref<1x100x100xi32, #tpu.memory_space<hbm>> -> memref<100x100xi32, #tpu.memory_space<hbm>>
    %dma_wait3A_17 = arith.constant 0 : i32
    %dma_wait3A_18 = arith.constant 0 : i32
    %dma_wait3A_19 = tpu.memref_slice %arg3[%add3A, %dma_wait3A_17, %dma_wait3A_18] : memref<32x100x100xi32, #tpu.memory_space<hbm>> -> memref<1x100x100xi32, #tpu.memory_space<hbm>>
    %dma_wait3A_20 = tpu.memref_squeeze %dma_wait3A_19 : memref<1x100x100xi32, #tpu.memory_space<hbm>> -> memref<100x100xi32, #tpu.memory_space<hbm>>
    tpu.wait_dma2 semaphore(%arg22 : memref<!tpu.dma_semaphore, #tpu.memory_space<semaphore_mem>>) src(%dma_wait3A_20 : memref<100x100xi32, #tpu.memory_space<hbm>>) dst(%arg7 : memref<100x100xi32, #tpu.memory_space<vmem>>)
    "tpu.region"() ({
      %run_scoped3A = tpu.sem_alloc : memref<!tpu.dma_semaphore, #tpu.memory_space<semaphore_mem>>
      %dma_start3A_69 = arith.constant 0 : i32
      %dma_start3A_70 = arith.constant 0 : i32
      %dma_start3A_71 = tpu.memref_slice %arg4[%add3A, %dma_start3A_69, %dma_start3A_70] : memref<32x100x100xi32, #tpu.memory_space<hbm>> -> memref<1x100x100xi32, #tpu.memory_space<hbm>>
      %dma_start3A_72 = tpu.memref_squeeze %dma_start3A_71 : memref<1x100x100xi32, #tpu.memory_space<hbm>> -> memref<100x100xi32, #tpu.memory_space<hbm>>
      %dma_start3A_73 = arith.constant 0 : i32
      %dma_start3A_74 = arith.constant 0 : i32
      %dma_start3A_75 = tpu.memref_slice %arg4[%add3A, %dma_start3A_73, %dma_start3A_74] : memref<32x100x100xi32, #tpu.memory_space<hbm>> -> memref<1x100x100xi32, #tpu.memory_space<hbm>>
      %dma_start3A_76 = tpu.memref_squeeze %dma_start3A_75 : memref<1x100x100xi32, #tpu.memory_space<hbm>> -> memref<100x100xi32, #tpu.memory_space<hbm>>
      tpu.enqueue_dma source(%dma_start3A_76 : memref<100x100xi32, #tpu.memory_space<hbm>>) target(%arg8 : memref<100x100xi32, #tpu.memory_space<vmem>>) target_semaphore(%run_scoped3A : memref<!tpu.dma_semaphore, #tpu.memory_space<semaphore_mem>>)
      %dma_wait3A_77 = arith.constant 0 : i32
      %dma_wait3A_78 = arith.constant 0 : i32
      %dma_wait3A_79 = tpu.memref_slice %arg4[%add3A, %dma_wait3A_77, %dma_wait3A_78] : memref<32x100x100xi32, #tpu.memory_space<hbm>> -> memref<1x100x100xi32, #tpu.memory_space<hbm>>
      %dma_wait3A_80 = tpu.memref_squeeze %dma_wait3A_79 : memref<1x100x100xi32, #tpu.memory_space<hbm>> -> memref<100x100xi32, #tpu.memory_space<hbm>>
      %dma_wait3A_81 = arith.constant 0 : i32
      %dma_wait3A_82 = arith.constant 0 : i32
      %dma_wait3A_83 = tpu.memref_slice %arg4[%add3A, %dma_wait3A_81, %dma_wait3A_82] : memref<32x100x100xi32, #tpu.memory_space<hbm>> -> memref<1x100x100xi32, #tpu.memory_space<hbm>>
      %dma_wait3A_84 = tpu.memref_squeeze %dma_wait3A_83 : memref<1x100x100xi32, #tpu.memory_space<hbm>> -> memref<100x100xi32, #tpu.memory_space<hbm>>
      tpu.wait_dma2 semaphore(%run_scoped3A : memref<!tpu.dma_semaphore, #tpu.memory_space<semaphore_mem>>) src(%dma_wait3A_84 : memref<100x100xi32, #tpu.memory_space<hbm>>) dst(%arg8 : memref<100x100xi32, #tpu.memory_space<vmem>>)
      tpu.yield
    }) : () -> ()
    %barrier3A = arith.constant 0 : index
    tpu.barrier barrier_id(%barrier3A)
    %dma_start3A_21 = arith.constant 0 : i32
    %dma_start3A_22 = arith.constant 0 : i32
    %dma_start3A_23 = tpu.memref_slice %arg7[%dma_start3A_21, %dma_start3A_22] : memref<100x100xi32, #tpu.memory_space<vmem>> -> memref<1x100xi32, #tpu.memory_space<vmem>>
    %dma_start3A_24 = tpu.memref_squeeze %dma_start3A_23 : memref<1x100xi32, #tpu.memory_space<vmem>> -> memref<100xi32, #tpu.memory_space<vmem>>
    %dma_start3A_25 = arith.constant 0 : i32
    %dma_start3A_26 = arith.constant 0 : i32
    %dma_start3A_27 = tpu.memref_slice %arg2[%dma_start3A_25, %dma_start3A_26] : memref<10240x40xf32, #tpu.memory_space<hbm>> -> memref<10240x40xf32, #tpu.memory_space<hbm>>
    tpu.enqueue_indirect_dma source(%dma_start3A_27 : memref<10240x40xf32, #tpu.memory_space<hbm>>) target(%arg9 : memref<100x40xf32, #tpu.memory_space<vmem>>) offsets(%dma_start3A_24 : memref<100xi32, #tpu.memory_space<vmem>>) semaphore(%arg14 : memref<!tpu.dma_semaphore, #tpu.memory_space<semaphore_mem>>)
    %dma_start3A_28 = arith.constant 1 : i32
    %dma_start3A_29 = arith.constant 0 : i32
    %dma_start3A_30 = tpu.memref_slice %arg7[%dma_start3A_28, %dma_start3A_29] : memref<100x100xi32, #tpu.memory_space<vmem>> -> memref<1x100xi32, #tpu.memory_space<vmem>>
    %dma_start3A_31 = tpu.memref_squeeze %dma_start3A_30 : memref<1x100xi32, #tpu.memory_space<vmem>> -> memref<100xi32, #tpu.memory_space<vmem>>
    %dma_start3A_32 = arith.constant 0 : i32
    %dma_start3A_33 = arith.constant 0 : i32
    %dma_start3A_34 = tpu.memref_slice %arg2[%dma_start3A_32, %dma_start3A_33] : memref<10240x40xf32, #tpu.memory_space<hbm>> -> memref<10240x40xf32, #tpu.memory_space<hbm>>
    tpu.enqueue_indirect_dma source(%dma_start3A_34 : memref<10240x40xf32, #tpu.memory_space<hbm>>) target(%arg10 : memref<100x40xf32, #tpu.memory_space<vmem>>) offsets(%dma_start3A_31 : memref<100xi32, #tpu.memory_space<vmem>>) semaphore(%arg15 : memref<!tpu.dma_semaphore, #tpu.memory_space<semaphore_mem>>)
    %scan3A_35 = arith.constant 0 : i32
    %scan3A_36 = arith.constant 25 : i32
    %scan3A_37 = arith.addi %scan3A_35, %scan3A_36 : i32
    %scan3A_38 = arith.constant 1 : i32
    scf.for %scan3A_69 = %scan3A_35 to %scan3A_37 step %scan3A_38  : i32 {
      %mul3A_70 = arith.constant 4 : i32
      %mul3A_71 = arith.muli %scan3A_69, %mul3A_70 : i32
      %add3A_72 = arith.constant 0 : i32
      %add3A_73 = arith.addi %add3A_72, %mul3A_71 : i32
      %add3A_74 = arith.constant 0 : i32
      %add3A_75 = arith.addi %add3A_73, %add3A_74 : i32
      %dma_wait3A_76 = arith.constant 0 : i32
      %dma_wait3A_77 = tpu.memref_slice %arg7[%add3A_75, %dma_wait3A_76] : memref<100x100xi32, #tpu.memory_space<vmem>> -> memref<1x100xi32, #tpu.memory_space<vmem>>
      %dma_wait3A_78 = tpu.memref_squeeze %dma_wait3A_77 : memref<1x100xi32, #tpu.memory_space<vmem>> -> memref<100xi32, #tpu.memory_space<vmem>>
      %dma_wait3A_79 = arith.constant 0 : i32
      %dma_wait3A_80 = arith.constant 0 : i32
      %dma_wait3A_81 = tpu.memref_slice %arg2[%dma_wait3A_79, %dma_wait3A_80] : memref<10240x40xf32, #tpu.memory_space<hbm>> -> memref<10240x40xf32, #tpu.memory_space<hbm>>
      tpu.wait_indirect_dma semaphore(%arg14 : memref<!tpu.dma_semaphore, #tpu.memory_space<semaphore_mem>>) src(%dma_wait3A_81 : memref<10240x40xf32, #tpu.memory_space<hbm>>) dst(%arg9 : memref<100x40xf32, #tpu.memory_space<vmem>>)
      %dma_start3A_82 = arith.constant 0 : i32
      %dma_start3A_83 = tpu.memref_slice %arg8[%add3A_75, %dma_start3A_82] : memref<100x100xi32, #tpu.memory_space<vmem>> -> memref<1x100xi32, #tpu.memory_space<vmem>>
      %dma_start3A_84 = tpu.memref_squeeze %dma_start3A_83 : memref<1x100xi32, #tpu.memory_space<vmem>> -> memref<100xi32, #tpu.memory_space<vmem>>
      %dma_start3A_85 = arith.constant 0 : i32
      %dma_start3A_86 = arith.constant 0 : i32
      %dma_start3A_87 = tpu.memref_slice %arg13[%dma_start3A_85, %dma_start3A_86] : memref<10240x40xf32, #tpu.memory_space<vmem_shared>> -> memref<10240x40xf32, #tpu.memory_space<vmem_shared>>
      tpu.enqueue_indirect_dma source(%arg9 : memref<100x40xf32, #tpu.memory_space<vmem>>) target(%dma_start3A_87 : memref<10240x40xf32, #tpu.memory_space<vmem_shared>>) offsets(%dma_start3A_84 : memref<100xi32, #tpu.memory_space<vmem>>) semaphore(%arg18 : memref<!tpu.dma_semaphore, #tpu.memory_space<semaphore_mem>>) {add = true}
      %add3A_88 = arith.constant 2 : i32
      %add3A_89 = arith.addi %add3A_75, %add3A_88 : i32
      %lt3A = arith.constant 100 : i32
      %lt3A_90 = arith.cmpi slt, %add3A_89, %lt3A : i32
      %convert_element_type3A = arith.extui %lt3A_90 : i1 to i32
      %cond3A = arith.constant 0 : i32
      %cond3A_91 = arith.cmpi ne, %convert_element_type3A, %cond3A : i32
      scf.if %cond3A_91 {
        %ge3A = arith.constant 2 : i32
        %ge3A_155 = arith.cmpi sge, %add3A_75, %ge3A : i32
        %convert_element_type3A_156 = arith.extui %ge3A_155 : i1 to i32
        %cond3A_157 = arith.constant 0 : i32
        %cond3A_158 = arith.cmpi ne, %convert_element_type3A_156, %cond3A_157 : i32
        scf.if %cond3A_158 {
          %dma_wait3A_167 = arith.constant 0 : i32
          %dma_wait3A_168 = tpu.memref_slice %arg8[%add3A_75, %dma_wait3A_167] : memref<100x100xi32, #tpu.memory_space<vmem>> -> memref<1x100xi32, #tpu.memory_space<vmem>>
          %dma_wait3A_169 = tpu.memref_squeeze %dma_wait3A_168 : memref<1x100xi32, #tpu.memory_space<vmem>> -> memref<100xi32, #tpu.memory_space<vmem>>
          %dma_wait3A_170 = arith.constant 0 : i32
          %dma_wait3A_171 = arith.constant 0 : i32
          %dma_wait3A_172 = tpu.memref_slice %arg13[%dma_wait3A_170, %dma_wait3A_171] : memref<10240x40xf32, #tpu.memory_space<vmem_shared>> -> memref<10240x40xf32, #tpu.memory_space<vmem_shared>>
          tpu.wait_indirect_dma semaphore(%arg20 : memref<!tpu.dma_semaphore, #tpu.memory_space<semaphore_mem>>) src(%arg11 : memref<100x40xf32, #tpu.memory_space<vmem>>) dst(%dma_wait3A_172 : memref<10240x40xf32, #tpu.memory_space<vmem_shared>>)
        } else {
        }
        %add3A_159 = arith.constant 2 : i32
        %add3A_160 = arith.addi %add3A_75, %add3A_159 : i32
        %dma_start3A_161 = arith.constant 0 : i32
        %dma_start3A_162 = tpu.memref_slice %arg7[%add3A_160, %dma_start3A_161] : memref<100x100xi32, #tpu.memory_space<vmem>> -> memref<1x100xi32, #tpu.memory_space<vmem>>
        %dma_start3A_163 = tpu.memref_squeeze %dma_start3A_162 : memref<1x100xi32, #tpu.memory_space<vmem>> -> memref<100xi32, #tpu.memory_space<vmem>>
        %dma_start3A_164 = arith.constant 0 : i32
        %dma_start3A_165 = arith.constant 0 : i32
        %dma_start3A_166 = tpu.memref_slice %arg2[%dma_start3A_164, %dma_start3A_165] : memref<10240x40xf32, #tpu.memory_space<hbm>> -> memref<10240x40xf32, #tpu.memory_space<hbm>>
        tpu.enqueue_indirect_dma source(%dma_start3A_166 : memref<10240x40xf32, #tpu.memory_space<hbm>>) target(%arg11 : memref<100x40xf32, #tpu.memory_space<vmem>>) offsets(%dma_start3A_163 : memref<100xi32, #tpu.memory_space<vmem>>) semaphore(%arg16 : memref<!tpu.dma_semaphore, #tpu.memory_space<semaphore_mem>>)
      } else {
      }
      %add3A_92 = arith.constant 1 : i32
      %add3A_93 = arith.addi %add3A_73, %add3A_92 : i32
      %dma_wait3A_94 = arith.constant 0 : i32
      %dma_wait3A_95 = tpu.memref_slice %arg7[%add3A_93, %dma_wait3A_94] : memref<100x100xi32, #tpu.memory_space<vmem>> -> memref<1x100xi32, #tpu.memory_space<vmem>>
      %dma_wait3A_96 = tpu.memref_squeeze %dma_wait3A_95 : memref<1x100xi32, #tpu.memory_space<vmem>> -> memref<100xi32, #tpu.memory_space<vmem>>
      %dma_wait3A_97 = arith.constant 0 : i32
      %dma_wait3A_98 = arith.constant 0 : i32
      %dma_wait3A_99 = tpu.memref_slice %arg2[%dma_wait3A_97, %dma_wait3A_98] : memref<10240x40xf32, #tpu.memory_space<hbm>> -> memref<10240x40xf32, #tpu.memory_space<hbm>>
      tpu.wait_indirect_dma semaphore(%arg15 : memref<!tpu.dma_semaphore, #tpu.memory_space<semaphore_mem>>) src(%dma_wait3A_99 : memref<10240x40xf32, #tpu.memory_space<hbm>>) dst(%arg10 : memref<100x40xf32, #tpu.memory_space<vmem>>)
      %dma_start3A_100 = arith.constant 0 : i32
      %dma_start3A_101 = tpu.memref_slice %arg8[%add3A_93, %dma_start3A_100] : memref<100x100xi32, #tpu.memory_space<vmem>> -> memref<1x100xi32, #tpu.memory_space<vmem>>
      %dma_start3A_102 = tpu.memref_squeeze %dma_start3A_101 : memref<1x100xi32, #tpu.memory_space<vmem>> -> memref<100xi32, #tpu.memory_space<vmem>>
      %dma_start3A_103 = arith.constant 0 : i32
      %dma_start3A_104 = arith.constant 0 : i32
      %dma_start3A_105 = tpu.memref_slice %arg13[%dma_start3A_103, %dma_start3A_104] : memref<10240x40xf32, #tpu.memory_space<vmem_shared>> -> memref<10240x40xf32, #tpu.memory_space<vmem_shared>>
      tpu.enqueue_indirect_dma source(%arg10 : memref<100x40xf32, #tpu.memory_space<vmem>>) target(%dma_start3A_105 : memref<10240x40xf32, #tpu.memory_space<vmem_shared>>) offsets(%dma_start3A_102 : memref<100xi32, #tpu.memory_space<vmem>>) semaphore(%arg19 : memref<!tpu.dma_semaphore, #tpu.memory_space<semaphore_mem>>) {add = true}
      %add3A_106 = arith.constant 2 : i32
      %add3A_107 = arith.addi %add3A_93, %add3A_106 : i32
      %lt3A_108 = arith.constant 100 : i32
      %lt3A_109 = arith.cmpi slt, %add3A_107, %lt3A_108 : i32
      %convert_element_type3A_110 = arith.extui %lt3A_109 : i1 to i32
      %cond3A_111 = arith.constant 0 : i32
      %cond3A_112 = arith.cmpi ne, %convert_element_type3A_110, %cond3A_111 : i32
      scf.if %cond3A_112 {
        %ge3A = arith.constant 2 : i32
        %ge3A_155 = arith.cmpi sge, %add3A_93, %ge3A : i32
        %convert_element_type3A_156 = arith.extui %ge3A_155 : i1 to i32
        %cond3A_157 = arith.constant 0 : i32
        %cond3A_158 = arith.cmpi ne, %convert_element_type3A_156, %cond3A_157 : i32
        scf.if %cond3A_158 {
          %dma_wait3A_167 = arith.constant 0 : i32
          %dma_wait3A_168 = tpu.memref_slice %arg8[%add3A_93, %dma_wait3A_167] : memref<100x100xi32, #tpu.memory_space<vmem>> -> memref<1x100xi32, #tpu.memory_space<vmem>>
          %dma_wait3A_169 = tpu.memref_squeeze %dma_wait3A_168 : memref<1x100xi32, #tpu.memory_space<vmem>> -> memref<100xi32, #tpu.memory_space<vmem>>
          %dma_wait3A_170 = arith.constant 0 : i32
          %dma_wait3A_171 = arith.constant 0 : i32
          %dma_wait3A_172 = tpu.memref_slice %arg13[%dma_wait3A_170, %dma_wait3A_171] : memref<10240x40xf32, #tpu.memory_space<vmem_shared>> -> memref<10240x40xf32, #tpu.memory_space<vmem_shared>>
          tpu.wait_indirect_dma semaphore(%arg21 : memref<!tpu.dma_semaphore, #tpu.memory_space<semaphore_mem>>) src(%arg12 : memref<100x40xf32, #tpu.memory_space<vmem>>) dst(%dma_wait3A_172 : memref<10240x40xf32, #tpu.memory_space<vmem_shared>>)
        } else {
        }
        %add3A_159 = arith.constant 2 : i32
        %add3A_160 = arith.addi %add3A_93, %add3A_159 : i32
        %dma_start3A_161 = arith.constant 0 : i32
        %dma_start3A_162 = tpu.memref_slice %arg7[%add3A_160, %dma_start3A_161] : memref<100x100xi32, #tpu.memory_space<vmem>> -> memref<1x100xi32, #tpu.memory_space<vmem>>
        %dma_start3A_163 = tpu.memref_squeeze %dma_start3A_162 : memref<1x100xi32, #tpu.memory_space<vmem>> -> memref<100xi32, #tpu.memory_space<vmem>>
        %dma_start3A_164 = arith.constant 0 : i32
        %dma_start3A_165 = arith.constant 0 : i32
        %dma_start3A_166 = tpu.memref_slice %arg2[%dma_start3A_164, %dma_start3A_165] : memref<10240x40xf32, #tpu.memory_space<hbm>> -> memref<10240x40xf32, #tpu.memory_space<hbm>>
        tpu.enqueue_indirect_dma source(%dma_start3A_166 : memref<10240x40xf32, #tpu.memory_space<hbm>>) target(%arg12 : memref<100x40xf32, #tpu.memory_space<vmem>>) offsets(%dma_start3A_163 : memref<100xi32, #tpu.memory_space<vmem>>) semaphore(%arg17 : memref<!tpu.dma_semaphore, #tpu.memory_space<semaphore_mem>>)
      } else {
      }
      %add3A_113 = arith.constant 2 : i32
      %add3A_114 = arith.addi %add3A_73, %add3A_113 : i32
      %dma_wait3A_115 = arith.constant 0 : i32
      %dma_wait3A_116 = tpu.memref_slice %arg7[%add3A_114, %dma_wait3A_115] : memref<100x100xi32, #tpu.memory_space<vmem>> -> memref<1x100xi32, #tpu.memory_space<vmem>>
      %dma_wait3A_117 = tpu.memref_squeeze %dma_wait3A_116 : memref<1x100xi32, #tpu.memory_space<vmem>> -> memref<100xi32, #tpu.memory_space<vmem>>
      %dma_wait3A_118 = arith.constant 0 : i32
      %dma_wait3A_119 = arith.constant 0 : i32
      %dma_wait3A_120 = tpu.memref_slice %arg2[%dma_wait3A_118, %dma_wait3A_119] : memref<10240x40xf32, #tpu.memory_space<hbm>> -> memref<10240x40xf32, #tpu.memory_space<hbm>>
      tpu.wait_indirect_dma semaphore(%arg16 : memref<!tpu.dma_semaphore, #tpu.memory_space<semaphore_mem>>) src(%dma_wait3A_120 : memref<10240x40xf32, #tpu.memory_space<hbm>>) dst(%arg11 : memref<100x40xf32, #tpu.memory_space<vmem>>)
      %dma_start3A_121 = arith.constant 0 : i32
      %dma_start3A_122 = tpu.memref_slice %arg8[%add3A_114, %dma_start3A_121] : memref<100x100xi32, #tpu.memory_space<vmem>> -> memref<1x100xi32, #tpu.memory_space<vmem>>
      %dma_start3A_123 = tpu.memref_squeeze %dma_start3A_122 : memref<1x100xi32, #tpu.memory_space<vmem>> -> memref<100xi32, #tpu.memory_space<vmem>>
      %dma_start3A_124 = arith.constant 0 : i32
      %dma_start3A_125 = arith.constant 0 : i32
      %dma_start3A_126 = tpu.memref_slice %arg13[%dma_start3A_124, %dma_start3A_125] : memref<10240x40xf32, #tpu.memory_space<vmem_shared>> -> memref<10240x40xf32, #tpu.memory_space<vmem_shared>>
      tpu.enqueue_indirect_dma source(%arg11 : memref<100x40xf32, #tpu.memory_space<vmem>>) target(%dma_start3A_126 : memref<10240x40xf32, #tpu.memory_space<vmem_shared>>) offsets(%dma_start3A_123 : memref<100xi32, #tpu.memory_space<vmem>>) semaphore(%arg20 : memref<!tpu.dma_semaphore, #tpu.memory_space<semaphore_mem>>) {add = true}
      %add3A_127 = arith.constant 2 : i32
      %add3A_128 = arith.addi %add3A_114, %add3A_127 : i32
      %lt3A_129 = arith.constant 100 : i32
      %lt3A_130 = arith.cmpi slt, %add3A_128, %lt3A_129 : i32
      %convert_element_type3A_131 = arith.extui %lt3A_130 : i1 to i32
      %cond3A_132 = arith.constant 0 : i32
      %cond3A_133 = arith.cmpi ne, %convert_element_type3A_131, %cond3A_132 : i32
      scf.if %cond3A_133 {
        %ge3A = arith.constant 2 : i32
        %ge3A_155 = arith.cmpi sge, %add3A_114, %ge3A : i32
        %convert_element_type3A_156 = arith.extui %ge3A_155 : i1 to i32
        %cond3A_157 = arith.constant 0 : i32
        %cond3A_158 = arith.cmpi ne, %convert_element_type3A_156, %cond3A_157 : i32
        scf.if %cond3A_158 {
          %dma_wait3A_167 = arith.constant 0 : i32
          %dma_wait3A_168 = tpu.memref_slice %arg8[%add3A_114, %dma_wait3A_167] : memref<100x100xi32, #tpu.memory_space<vmem>> -> memref<1x100xi32, #tpu.memory_space<vmem>>
          %dma_wait3A_169 = tpu.memref_squeeze %dma_wait3A_168 : memref<1x100xi32, #tpu.memory_space<vmem>> -> memref<100xi32, #tpu.memory_space<vmem>>
          %dma_wait3A_170 = arith.constant 0 : i32
          %dma_wait3A_171 = arith.constant 0 : i32
          %dma_wait3A_172 = tpu.memref_slice %arg13[%dma_wait3A_170, %dma_wait3A_171] : memref<10240x40xf32, #tpu.memory_space<vmem_shared>> -> memref<10240x40xf32, #tpu.memory_space<vmem_shared>>
          tpu.wait_indirect_dma semaphore(%arg18 : memref<!tpu.dma_semaphore, #tpu.memory_space<semaphore_mem>>) src(%arg9 : memref<100x40xf32, #tpu.memory_space<vmem>>) dst(%dma_wait3A_172 : memref<10240x40xf32, #tpu.memory_space<vmem_shared>>)
        } else {
        }
        %add3A_159 = arith.constant 2 : i32
        %add3A_160 = arith.addi %add3A_114, %add3A_159 : i32
        %dma_start3A_161 = arith.constant 0 : i32
        %dma_start3A_162 = tpu.memref_slice %arg7[%add3A_160, %dma_start3A_161] : memref<100x100xi32, #tpu.memory_space<vmem>> -> memref<1x100xi32, #tpu.memory_space<vmem>>
        %dma_start3A_163 = tpu.memref_squeeze %dma_start3A_162 : memref<1x100xi32, #tpu.memory_space<vmem>> -> memref<100xi32, #tpu.memory_space<vmem>>
        %dma_start3A_164 = arith.constant 0 : i32
        %dma_start3A_165 = arith.constant 0 : i32
        %dma_start3A_166 = tpu.memref_slice %arg2[%dma_start3A_164, %dma_start3A_165] : memref<10240x40xf32, #tpu.memory_space<hbm>> -> memref<10240x40xf32, #tpu.memory_space<hbm>>
        tpu.enqueue_indirect_dma source(%dma_start3A_166 : memref<10240x40xf32, #tpu.memory_space<hbm>>) target(%arg9 : memref<100x40xf32, #tpu.memory_space<vmem>>) offsets(%dma_start3A_163 : memref<100xi32, #tpu.memory_space<vmem>>) semaphore(%arg14 : memref<!tpu.dma_semaphore, #tpu.memory_space<semaphore_mem>>)
      } else {
      }
      %add3A_134 = arith.constant 3 : i32
      %add3A_135 = arith.addi %add3A_73, %add3A_134 : i32
      %dma_wait3A_136 = arith.constant 0 : i32
      %dma_wait3A_137 = tpu.memref_slice %arg7[%add3A_135, %dma_wait3A_136] : memref<100x100xi32, #tpu.memory_space<vmem>> -> memref<1x100xi32, #tpu.memory_space<vmem>>
      %dma_wait3A_138 = tpu.memref_squeeze %dma_wait3A_137 : memref<1x100xi32, #tpu.memory_space<vmem>> -> memref<100xi32, #tpu.memory_space<vmem>>
      %dma_wait3A_139 = arith.constant 0 : i32
      %dma_wait3A_140 = arith.constant 0 : i32
      %dma_wait3A_141 = tpu.memref_slice %arg2[%dma_wait3A_139, %dma_wait3A_140] : memref<10240x40xf32, #tpu.memory_space<hbm>> -> memref<10240x40xf32, #tpu.memory_space<hbm>>
      tpu.wait_indirect_dma semaphore(%arg17 : memref<!tpu.dma_semaphore, #tpu.memory_space<semaphore_mem>>) src(%dma_wait3A_141 : memref<10240x40xf32, #tpu.memory_space<hbm>>) dst(%arg12 : memref<100x40xf32, #tpu.memory_space<vmem>>)
      %dma_start3A_142 = arith.constant 0 : i32
      %dma_start3A_143 = tpu.memref_slice %arg8[%add3A_135, %dma_start3A_142] : memref<100x100xi32, #tpu.memory_space<vmem>> -> memref<1x100xi32, #tpu.memory_space<vmem>>
      %dma_start3A_144 = tpu.memref_squeeze %dma_start3A_143 : memref<1x100xi32, #tpu.memory_space<vmem>> -> memref<100xi32, #tpu.memory_space<vmem>>
      %dma_start3A_145 = arith.constant 0 : i32
      %dma_start3A_146 = arith.constant 0 : i32
      %dma_start3A_147 = tpu.memref_slice %arg13[%dma_start3A_145, %dma_start3A_146] : memref<10240x40xf32, #tpu.memory_space<vmem_shared>> -> memref<10240x40xf32, #tpu.memory_space<vmem_shared>>
      tpu.enqueue_indirect_dma source(%arg12 : memref<100x40xf32, #tpu.memory_space<vmem>>) target(%dma_start3A_147 : memref<10240x40xf32, #tpu.memory_space<vmem_shared>>) offsets(%dma_start3A_144 : memref<100xi32, #tpu.memory_space<vmem>>) semaphore(%arg21 : memref<!tpu.dma_semaphore, #tpu.memory_space<semaphore_mem>>) {add = true}
      %add3A_148 = arith.constant 2 : i32
      %add3A_149 = arith.addi %add3A_135, %add3A_148 : i32
      %lt3A_150 = arith.constant 100 : i32
      %lt3A_151 = arith.cmpi slt, %add3A_149, %lt3A_150 : i32
      %convert_element_type3A_152 = arith.extui %lt3A_151 : i1 to i32
      %cond3A_153 = arith.constant 0 : i32
      %cond3A_154 = arith.cmpi ne, %convert_element_type3A_152, %cond3A_153 : i32
      scf.if %cond3A_154 {
        %ge3A = arith.constant 2 : i32
        %ge3A_155 = arith.cmpi sge, %add3A_135, %ge3A : i32
        %convert_element_type3A_156 = arith.extui %ge3A_155 : i1 to i32
        %cond3A_157 = arith.constant 0 : i32
        %cond3A_158 = arith.cmpi ne, %convert_element_type3A_156, %cond3A_157 : i32
        scf.if %cond3A_158 {
          %dma_wait3A_167 = arith.constant 0 : i32
          %dma_wait3A_168 = tpu.memref_slice %arg8[%add3A_135, %dma_wait3A_167] : memref<100x100xi32, #tpu.memory_space<vmem>> -> memref<1x100xi32, #tpu.memory_space<vmem>>
          %dma_wait3A_169 = tpu.memref_squeeze %dma_wait3A_168 : memref<1x100xi32, #tpu.memory_space<vmem>> -> memref<100xi32, #tpu.memory_space<vmem>>
          %dma_wait3A_170 = arith.constant 0 : i32
          %dma_wait3A_171 = arith.constant 0 : i32
          %dma_wait3A_172 = tpu.memref_slice %arg13[%dma_wait3A_170, %dma_wait3A_171] : memref<10240x40xf32, #tpu.memory_space<vmem_shared>> -> memref<10240x40xf32, #tpu.memory_space<vmem_shared>>
          tpu.wait_indirect_dma semaphore(%arg19 : memref<!tpu.dma_semaphore, #tpu.memory_space<semaphore_mem>>) src(%arg10 : memref<100x40xf32, #tpu.memory_space<vmem>>) dst(%dma_wait3A_172 : memref<10240x40xf32, #tpu.memory_space<vmem_shared>>)
        } else {
        }
        %add3A_159 = arith.constant 2 : i32
        %add3A_160 = arith.addi %add3A_135, %add3A_159 : i32
        %dma_start3A_161 = arith.constant 0 : i32
        %dma_start3A_162 = tpu.memref_slice %arg7[%add3A_160, %dma_start3A_161] : memref<100x100xi32, #tpu.memory_space<vmem>> -> memref<1x100xi32, #tpu.memory_space<vmem>>
        %dma_start3A_163 = tpu.memref_squeeze %dma_start3A_162 : memref<1x100xi32, #tpu.memory_space<vmem>> -> memref<100xi32, #tpu.memory_space<vmem>>
        %dma_start3A_164 = arith.constant 0 : i32
        %dma_start3A_165 = arith.constant 0 : i32
        %dma_start3A_166 = tpu.memref_slice %arg2[%dma_start3A_164, %dma_start3A_165] : memref<10240x40xf32, #tpu.memory_space<hbm>> -> memref<10240x40xf32, #tpu.memory_space<hbm>>
        tpu.enqueue_indirect_dma source(%dma_start3A_166 : memref<10240x40xf32, #tpu.memory_space<hbm>>) target(%arg10 : memref<100x40xf32, #tpu.memory_space<vmem>>) offsets(%dma_start3A_163 : memref<100xi32, #tpu.memory_space<vmem>>) semaphore(%arg15 : memref<!tpu.dma_semaphore, #tpu.memory_space<semaphore_mem>>)
      } else {
      }
    }
    %scan3A_39 = arith.constant 25 : i32
    %dma_wait3A_40 = arith.constant 96 : i32
    %dma_wait3A_41 = arith.constant 0 : i32
    %dma_wait3A_42 = tpu.memref_slice %arg8[%dma_wait3A_40, %dma_wait3A_41] : memref<100x100xi32, #tpu.memory_space<vmem>> -> memref<1x100xi32, #tpu.memory_space<vmem>>
    %dma_wait3A_43 = tpu.memref_squeeze %dma_wait3A_42 : memref<1x100xi32, #tpu.memory_space<vmem>> -> memref<100xi32, #tpu.memory_space<vmem>>
    %dma_wait3A_44 = arith.constant 0 : i32
    %dma_wait3A_45 = arith.constant 0 : i32
    %dma_wait3A_46 = tpu.memref_slice %arg13[%dma_wait3A_44, %dma_wait3A_45] : memref<10240x40xf32, #tpu.memory_space<vmem_shared>> -> memref<10240x40xf32, #tpu.memory_space<vmem_shared>>
    tpu.wait_indirect_dma semaphore(%arg18 : memref<!tpu.dma_semaphore, #tpu.memory_space<semaphore_mem>>) src(%arg9 : memref<100x40xf32, #tpu.memory_space<vmem>>) dst(%dma_wait3A_46 : memref<10240x40xf32, #tpu.memory_space<vmem_shared>>)
    %dma_wait3A_47 = arith.constant 97 : i32
    %dma_wait3A_48 = arith.constant 0 : i32
    %dma_wait3A_49 = tpu.memref_slice %arg8[%dma_wait3A_47, %dma_wait3A_48] : memref<100x100xi32, #tpu.memory_space<vmem>> -> memref<1x100xi32, #tpu.memory_space<vmem>>
    %dma_wait3A_50 = tpu.memref_squeeze %dma_wait3A_49 : memref<1x100xi32, #tpu.memory_space<vmem>> -> memref<100xi32, #tpu.memory_space<vmem>>
    %dma_wait3A_51 = arith.constant 0 : i32
    %dma_wait3A_52 = arith.constant 0 : i32
    %dma_wait3A_53 = tpu.memref_slice %arg13[%dma_wait3A_51, %dma_wait3A_52] : memref<10240x40xf32, #tpu.memory_space<vmem_shared>> -> memref<10240x40xf32, #tpu.memory_space<vmem_shared>>
    tpu.wait_indirect_dma semaphore(%arg19 : memref<!tpu.dma_semaphore, #tpu.memory_space<semaphore_mem>>) src(%arg10 : memref<100x40xf32, #tpu.memory_space<vmem>>) dst(%dma_wait3A_53 : memref<10240x40xf32, #tpu.memory_space<vmem_shared>>)
    %dma_wait3A_54 = arith.constant 98 : i32
    %dma_wait3A_55 = arith.constant 0 : i32
    %dma_wait3A_56 = tpu.memref_slice %arg8[%dma_wait3A_54, %dma_wait3A_55] : memref<100x100xi32, #tpu.memory_space<vmem>> -> memref<1x100xi32, #tpu.memory_space<vmem>>
    %dma_wait3A_57 = tpu.memref_squeeze %dma_wait3A_56 : memref<1x100xi32, #tpu.memory_space<vmem>> -> memref<100xi32, #tpu.memory_space<vmem>>
    %dma_wait3A_58 = arith.constant 0 : i32
    %dma_wait3A_59 = arith.constant 0 : i32
    %dma_wait3A_60 = tpu.memref_slice %arg13[%dma_wait3A_58, %dma_wait3A_59] : memref<10240x40xf32, #tpu.memory_space<vmem_shared>> -> memref<10240x40xf32, #tpu.memory_space<vmem_shared>>
    tpu.wait_indirect_dma semaphore(%arg20 : memref<!tpu.dma_semaphore, #tpu.memory_space<semaphore_mem>>) src(%arg11 : memref<100x40xf32, #tpu.memory_space<vmem>>) dst(%dma_wait3A_60 : memref<10240x40xf32, #tpu.memory_space<vmem_shared>>)
    %dma_wait3A_61 = arith.constant 99 : i32
    %dma_wait3A_62 = arith.constant 0 : i32
    %dma_wait3A_63 = tpu.memref_slice %arg8[%dma_wait3A_61, %dma_wait3A_62] : memref<100x100xi32, #tpu.memory_space<vmem>> -> memref<1x100xi32, #tpu.memory_space<vmem>>
    %dma_wait3A_64 = tpu.memref_squeeze %dma_wait3A_63 : memref<1x100xi32, #tpu.memory_space<vmem>> -> memref<100xi32, #tpu.memory_space<vmem>>
    %dma_wait3A_65 = arith.constant 0 : i32
    %dma_wait3A_66 = arith.constant 0 : i32
    %dma_wait3A_67 = tpu.memref_slice %arg13[%dma_wait3A_65, %dma_wait3A_66] : memref<10240x40xf32, #tpu.memory_space<vmem_shared>> -> memref<10240x40xf32, #tpu.memory_space<vmem_shared>>
    tpu.wait_indirect_dma semaphore(%arg21 : memref<!tpu.dma_semaphore, #tpu.memory_space<semaphore_mem>>) src(%arg12 : memref<100x40xf32, #tpu.memory_space<vmem>>) dst(%dma_wait3A_67 : memref<10240x40xf32, #tpu.memory_space<vmem_shared>>)
    %barrier3A_68 = arith.constant 0 : index
    tpu.barrier barrier_id(%barrier3A_68)
    "tpu.region"() ({
      %run_scoped3A = tpu.sem_alloc : memref<!tpu.dma_semaphore, #tpu.memory_space<semaphore_mem>>
      %dma_start3A_69 = arith.constant 0 : i32
      %dma_start3A_70 = tpu.memref_slice %arg6[%arg0, %mul3A_2, %dma_start3A_69] : memref<2x10240x40xf32, #tpu.memory_space<hbm>> -> memref<1x640x40xf32, #tpu.memory_space<hbm>>
      %dma_start3A_71 = tpu.memref_squeeze %dma_start3A_70 : memref<1x640x40xf32, #tpu.memory_space<hbm>> -> memref<640x40xf32, #tpu.memory_space<hbm>>
      %dma_start3A_72 = arith.constant 0 : i32
      %dma_start3A_73 = tpu.memref_slice %arg13[%mul3A_2, %dma_start3A_72] : memref<10240x40xf32, #tpu.memory_space<vmem_shared>> -> memref<640x40xf32, #tpu.memory_space<vmem_shared>>
      tpu.enqueue_dma source(%dma_start3A_73 : memref<640x40xf32, #tpu.memory_space<vmem_shared>>) target(%dma_start3A_71 : memref<640x40xf32, #tpu.memory_space<hbm>>) target_semaphore(%run_scoped3A : memref<!tpu.dma_semaphore, #tpu.memory_space<semaphore_mem>>)
      %dma_wait3A_74 = arith.constant 0 : i32
      %dma_wait3A_75 = tpu.memref_slice %arg6[%arg0, %mul3A_2, %dma_wait3A_74] : memref<2x10240x40xf32, #tpu.memory_space<hbm>> -> memref<1x640x40xf32, #tpu.memory_space<hbm>>
      %dma_wait3A_76 = tpu.memref_squeeze %dma_wait3A_75 : memref<1x640x40xf32, #tpu.memory_space<hbm>> -> memref<640x40xf32, #tpu.memory_space<hbm>>
      %dma_wait3A_77 = arith.constant 0 : i32
      %dma_wait3A_78 = tpu.memref_slice %arg13[%mul3A_2, %dma_wait3A_77] : memref<10240x40xf32, #tpu.memory_space<vmem_shared>> -> memref<640x40xf32, #tpu.memory_space<vmem_shared>>
      tpu.wait_dma2 semaphore(%run_scoped3A : memref<!tpu.dma_semaphore, #tpu.memory_space<semaphore_mem>>) src(%dma_wait3A_78 : memref<640x40xf32, #tpu.memory_space<vmem_shared>>) dst(%dma_wait3A_76 : memref<640x40xf32, #tpu.memory_space<hbm>>)
      tpu.yield
    }) : () -> ()
    return
  }
}

module attributes {stable_mosaic.version = 14 : i64} {
  func.func @_tc_scale1_body(%arg0: i32, %arg1: memref<2560x128xf32, #tpu.memory_space<vmem>>, %arg2: memref<128x128xf32, #tpu.memory_space<vmem>>, %arg3: memref<2x2560x8xf32, #tpu.memory_space<vmem>>, %arg4: memref<2560x128xf32, #tpu.memory_space<vmem>>, %arg5: memref<2560x1xf32, #tpu.memory_space<vmem>>) attributes {dimension_semantics = [#tpu.dimension_semantics<arbitrary>], iteration_bounds = array<i64: 4>, scalar_prefetch = 0 : i64, scratch_operands = 0 : i64, tpu.core_type = #tpu.core_type<tc>, window_params = [{transform_indices = @transform_0, window_bounds = array<i64: 2560, 128>}, {pipeline_mode = #tpu.pipeline_mode<synchronous>, transform_indices = @transform_1, window_bounds = array<i64: 128, 128>}, {transform_indices = @transform_2, window_bounds = array<i64: 2, 2560, 8>}, {transform_indices = @transform_3, window_bounds = array<i64: 2560, 128>}, {transform_indices = @transform_4, window_bounds = array<i64: 2560, 1>}]} {
    %get3A = arith.constant 0 : index
    %get3A_0 = arith.constant 0 : index
    %get3A_1 = arith.constant 0 : index
    %get3A_2 = vector.load %arg3[%get3A, %get3A_0, %get3A_1] : memref<2x2560x8xf32, #tpu.memory_space<vmem>>, vector<1x2560x8xf32>
    %get3A_3 = vector.shape_cast %get3A_2 : vector<1x2560x8xf32> to vector<2560x8xf32>
    %slice3A = vector.extract_strided_slice %get3A_3 {offsets = [0, 0], sizes = [2560, 1], strides = [1, 1]} : vector<2560x8xf32> to vector<2560x1xf32>
    %get3A_4 = arith.constant 1 : index
    %get3A_5 = arith.constant 0 : index
    %get3A_6 = arith.constant 0 : index
    %get3A_7 = vector.load %arg3[%get3A_4, %get3A_5, %get3A_6] : memref<2x2560x8xf32, #tpu.memory_space<vmem>>, vector<1x2560x8xf32>
    %get3A_8 = vector.shape_cast %get3A_7 : vector<1x2560x8xf32> to vector<2560x8xf32>
    %slice3A_9 = vector.extract_strided_slice %get3A_8 {offsets = [0, 0], sizes = [2560, 1], strides = [1, 1]} : vector<2560x8xf32> to vector<2560x1xf32>
    %add3A = arith.addf %slice3A, %slice3A_9 : vector<2560x1xf32>
    %sub3A = arith.constant 1.000000e+00 : f32
    %sub3A_10 = vector.broadcast %sub3A : f32 to vector<2560x1xf32>
    %sub3A_11 = arith.subf %add3A, %sub3A_10 : vector<2560x1xf32>
    %rsqrt3A = math.rsqrt %sub3A_11 : vector<2560x1xf32>
    %get3A_12 = arith.constant 0 : index
    %get3A_13 = arith.constant 0 : index
    %get3A_14 = vector.load %arg1[%get3A_12, %get3A_13] : memref<2560x128xf32, #tpu.memory_space<vmem>>, vector<2560x128xf32>
    %get3A_15 = arith.constant 0 : index
    %get3A_16 = arith.constant 0 : index
    %get3A_17 = vector.load %arg2[%get3A_15, %get3A_16] : memref<128x128xf32, #tpu.memory_space<vmem>>, vector<128x128xf32>
    %dot_general3A = arith.constant dense<0.000000e+00> : vector<2560x128xf32>
    %dot_general3A_18 = tpu.matmul %get3A_14, %get3A_17, %dot_general3A {dimension_numbers = #tpu.dot_dimension_numbers<[1], [0], [0], [1], [0, 0, 1, 1], [], []>, transpose_lhs_hint = false} : vector<2560x128xf32>, vector<128x128xf32>, vector<2560x128xf32> -> vector<2560x128xf32>
    %mul3A = vector.broadcast %rsqrt3A : vector<2560x1xf32> to vector<2560x128xf32>
    %mul3A_19 = arith.mulf %dot_general3A_18, %mul3A : vector<2560x128xf32>
    %swap3A = arith.constant 0 : index
    %swap3A_20 = arith.constant 0 : index
    %swap3A_21 = vector.load %arg4[%swap3A, %swap3A_20] : memref<2560x128xf32, #tpu.memory_space<vmem>>, vector<2560x128xf32>
    tpu.vector_store %arg4[%swap3A, %swap3A_20], %mul3A_19 {strides = array<i32>} : memref<2560x128xf32, #tpu.memory_space<vmem>>, vector<2560x128xf32>,
    %swap3A_22 = arith.constant 0 : index
    %swap3A_23 = arith.constant 0 : index
    %swap3A_24 = vector.load %arg5[%swap3A_22, %swap3A_23] : memref<2560x1xf32, #tpu.memory_space<vmem>>, vector<2560x1xf32>
    tpu.vector_store %arg5[%swap3A_22, %swap3A_23], %rsqrt3A {strides = array<i32>} : memref<2560x1xf32, #tpu.memory_space<vmem>>, vector<2560x1xf32>,
    return
  }
  func.func @transform_0(%arg0: i32) -> (i32, i32) {
    %c0_i32 = arith.constant 0 : i32
    %c0_i32_0 = arith.constant 0 : i32
    return %arg0, %c0_i32 : i32, i32
  }
  func.func @transform_1(%arg0: i32) -> (i32, i32) {
    %c0_i32 = arith.constant 0 : i32
    %c0_i32_0 = arith.constant 0 : i32
    %c0_i32_1 = arith.constant 0 : i32
    return %c0_i32, %c0_i32_0 : i32, i32
  }
  func.func @transform_2(%arg0: i32) -> (i32, i32, i32) {
    %c0_i32 = arith.constant 0 : i32
    %c0_i32_0 = arith.constant 0 : i32
    %c0_i32_1 = arith.constant 0 : i32
    return %c0_i32, %arg0, %c0_i32_0 : i32, i32, i32
  }
  func.func @transform_3(%arg0: i32) -> (i32, i32) {
    %c0_i32 = arith.constant 0 : i32
    %c0_i32_0 = arith.constant 0 : i32
    return %arg0, %c0_i32 : i32, i32
  }
  func.func @transform_4(%arg0: i32) -> (i32, i32) {
    %c0_i32 = arith.constant 0 : i32
    %c0_i32_0 = arith.constant 0 : i32
    return %arg0, %c0_i32 : i32, i32
  }
}

module attributes {stable_mosaic.version = 14 : i64} {
  func.func @_tc_mid_body(%arg0: i32, %arg1: memref<2x2560x128xf32, #tpu.memory_space<vmem>>, %arg2: memref<2560x128xf32, #tpu.memory_space<vmem>>, %arg3: memref<2560x1xf32, #tpu.memory_space<vmem>>, %arg4: memref<1x128xf32, #tpu.memory_space<vmem>>, %arg5: memref<128x40xf32, #tpu.memory_space<vmem>>, %arg6: memref<2560x40xf32, #tpu.memory_space<vmem>>) attributes {dimension_semantics = [#tpu.dimension_semantics<arbitrary>], iteration_bounds = array<i64: 4>, scalar_prefetch = 0 : i64, scratch_operands = 0 : i64, tpu.core_type = #tpu.core_type<tc>, window_params = [{transform_indices = @transform_0, window_bounds = array<i64: 2, 2560, 128>}, {transform_indices = @transform_1, window_bounds = array<i64: 2560, 128>}, {transform_indices = @transform_2, window_bounds = array<i64: 2560, 1>}, {pipeline_mode = #tpu.pipeline_mode<synchronous>, transform_indices = @transform_3, window_bounds = array<i64: 1, 128>}, {pipeline_mode = #tpu.pipeline_mode<synchronous>, transform_indices = @transform_4, window_bounds = array<i64: 128, 40>}, {transform_indices = @transform_5, window_bounds = array<i64: 2560, 40>}]} {
    %get3A = arith.constant 0 : index
    %get3A_0 = arith.constant 0 : index
    %get3A_1 = arith.constant 0 : index
    %get3A_2 = vector.load %arg1[%get3A, %get3A_0, %get3A_1] : memref<2x2560x128xf32, #tpu.memory_space<vmem>>, vector<1x2560x128xf32>
    %get3A_3 = vector.shape_cast %get3A_2 : vector<1x2560x128xf32> to vector<2560x128xf32>
    %get3A_4 = arith.constant 1 : index
    %get3A_5 = arith.constant 0 : index
    %get3A_6 = arith.constant 0 : index
    %get3A_7 = vector.load %arg1[%get3A_4, %get3A_5, %get3A_6] : memref<2x2560x128xf32, #tpu.memory_space<vmem>>, vector<1x2560x128xf32>
    %get3A_8 = vector.shape_cast %get3A_7 : vector<1x2560x128xf32> to vector<2560x128xf32>
    %add3A = arith.addf %get3A_3, %get3A_8 : vector<2560x128xf32>
    %get3A_9 = arith.constant 0 : index
    %get3A_10 = arith.constant 0 : index
    %get3A_11 = vector.load %arg2[%get3A_9, %get3A_10] : memref<2560x128xf32, #tpu.memory_space<vmem>>, vector<2560x128xf32>
    %add3A_12 = arith.addf %add3A, %get3A_11 : vector<2560x128xf32>
    %get3A_13 = arith.constant 0 : index
    %get3A_14 = arith.constant 0 : index
    %get3A_15 = vector.load %arg3[%get3A_13, %get3A_14] : memref<2560x1xf32, #tpu.memory_space<vmem>>, vector<2560x1xf32>
    %mul3A = vector.broadcast %get3A_15 : vector<2560x1xf32> to vector<2560x128xf32>
    %mul3A_16 = arith.mulf %add3A_12, %mul3A : vector<2560x128xf32>
    %get3A_17 = arith.constant 0 : index
    %get3A_18 = arith.constant 0 : index
    %get3A_19 = vector.load %arg4[%get3A_17, %get3A_18] : memref<1x128xf32, #tpu.memory_space<vmem>>, vector<1x128xf32>
    %add3A_20 = vector.broadcast %get3A_19 : vector<1x128xf32> to vector<2560x128xf32>
    %add3A_21 = arith.addf %mul3A_16, %add3A_20 : vector<2560x128xf32>
    %max3A = arith.constant 0.000000e+00 : f32
    %max3A_22 = vector.broadcast %max3A : f32 to vector<2560x128xf32>
    %max3A_23 = arith.maximumf %add3A_21, %max3A_22 : vector<2560x128xf32>
    %get3A_24 = arith.constant 0 : index
    %get3A_25 = arith.constant 0 : index
    %get3A_26 = vector.load %arg5[%get3A_24, %get3A_25] : memref<128x40xf32, #tpu.memory_space<vmem>>, vector<128x40xf32>
    %dot_general3A = arith.constant dense<0.000000e+00> : vector<2560x40xf32>
    %dot_general3A_27 = tpu.matmul %max3A_23, %get3A_26, %dot_general3A {dimension_numbers = #tpu.dot_dimension_numbers<[1], [0], [0], [1], [0, 0, 1, 1], [], []>, transpose_lhs_hint = false} : vector<2560x128xf32>, vector<128x40xf32>, vector<2560x40xf32> -> vector<2560x40xf32>
    %get3A_28 = arith.constant 0 : index
    %get3A_29 = arith.constant 0 : index
    %get3A_30 = vector.load %arg3[%get3A_28, %get3A_29] : memref<2560x1xf32, #tpu.memory_space<vmem>>, vector<2560x1xf32>
    %mul3A_31 = vector.broadcast %get3A_30 : vector<2560x1xf32> to vector<2560x40xf32>
    %mul3A_32 = arith.mulf %dot_general3A_27, %mul3A_31 : vector<2560x40xf32>
    %swap3A = arith.constant 0 : index
    %swap3A_33 = arith.constant 0 : index
    %swap3A_34 = vector.load %arg6[%swap3A, %swap3A_33] : memref<2560x40xf32, #tpu.memory_space<vmem>>, vector<2560x40xf32>
    tpu.vector_store %arg6[%swap3A, %swap3A_33], %mul3A_32 {strides = array<i32>} : memref<2560x40xf32, #tpu.memory_space<vmem>>, vector<2560x40xf32>,
    return
  }
  func.func @transform_0(%arg0: i32) -> (i32, i32, i32) {
    %c0_i32 = arith.constant 0 : i32
    %c0_i32_0 = arith.constant 0 : i32
    %c0_i32_1 = arith.constant 0 : i32
    return %c0_i32, %arg0, %c0_i32_0 : i32, i32, i32
  }
  func.func @transform_1(%arg0: i32) -> (i32, i32) {
    %c0_i32 = arith.constant 0 : i32
    %c0_i32_0 = arith.constant 0 : i32
    return %arg0, %c0_i32 : i32, i32
  }
  func.func @transform_2(%arg0: i32) -> (i32, i32) {
    %c0_i32 = arith.constant 0 : i32
    %c0_i32_0 = arith.constant 0 : i32
    return %arg0, %c0_i32 : i32, i32
  }
  func.func @transform_3(%arg0: i32) -> (i32, i32) {
    %c0_i32 = arith.constant 0 : i32
    %c0_i32_0 = arith.constant 0 : i32
    %c0_i32_1 = arith.constant 0 : i32
    return %c0_i32, %c0_i32_0 : i32, i32
  }
  func.func @transform_4(%arg0: i32) -> (i32, i32) {
    %c0_i32 = arith.constant 0 : i32
    %c0_i32_0 = arith.constant 0 : i32
    %c0_i32_1 = arith.constant 0 : i32
    return %c0_i32, %c0_i32_0 : i32, i32
  }
  func.func @transform_5(%arg0: i32) -> (i32, i32) {
    %c0_i32 = arith.constant 0 : i32
    %c0_i32_0 = arith.constant 0 : i32
    return %arg0, %c0_i32 : i32, i32
  }
}

module attributes {stable_mosaic.version = 14 : i64} {
  func.func @_tc_final_body(%arg0: i32, %arg1: memref<2x2560x40xf32, #tpu.memory_space<vmem>>, %arg2: memref<2560x40xf32, #tpu.memory_space<vmem>>, %arg3: memref<2560x1xf32, #tpu.memory_space<vmem>>, %arg4: memref<1x40xf32, #tpu.memory_space<vmem>>, %arg5: memref<2560x40xf32, #tpu.memory_space<vmem>>) attributes {dimension_semantics = [#tpu.dimension_semantics<arbitrary>], iteration_bounds = array<i64: 4>, scalar_prefetch = 0 : i64, scratch_operands = 0 : i64, tpu.core_type = #tpu.core_type<tc>, window_params = [{transform_indices = @transform_0, window_bounds = array<i64: 2, 2560, 40>}, {transform_indices = @transform_1, window_bounds = array<i64: 2560, 40>}, {transform_indices = @transform_2, window_bounds = array<i64: 2560, 1>}, {pipeline_mode = #tpu.pipeline_mode<synchronous>, transform_indices = @transform_3, window_bounds = array<i64: 1, 40>}, {transform_indices = @transform_4, window_bounds = array<i64: 2560, 40>}]} {
    %get3A = arith.constant 0 : index
    %get3A_0 = arith.constant 0 : index
    %get3A_1 = arith.constant 0 : index
    %get3A_2 = vector.load %arg1[%get3A, %get3A_0, %get3A_1] : memref<2x2560x40xf32, #tpu.memory_space<vmem>>, vector<1x2560x40xf32>
    %get3A_3 = vector.shape_cast %get3A_2 : vector<1x2560x40xf32> to vector<2560x40xf32>
    %get3A_4 = arith.constant 1 : index
    %get3A_5 = arith.constant 0 : index
    %get3A_6 = arith.constant 0 : index
    %get3A_7 = vector.load %arg1[%get3A_4, %get3A_5, %get3A_6] : memref<2x2560x40xf32, #tpu.memory_space<vmem>>, vector<1x2560x40xf32>
    %get3A_8 = vector.shape_cast %get3A_7 : vector<1x2560x40xf32> to vector<2560x40xf32>
    %add3A = arith.addf %get3A_3, %get3A_8 : vector<2560x40xf32>
    %get3A_9 = arith.constant 0 : index
    %get3A_10 = arith.constant 0 : index
    %get3A_11 = vector.load %arg2[%get3A_9, %get3A_10] : memref<2560x40xf32, #tpu.memory_space<vmem>>, vector<2560x40xf32>
    %add3A_12 = arith.addf %add3A, %get3A_11 : vector<2560x40xf32>
    %get3A_13 = arith.constant 0 : index
    %get3A_14 = arith.constant 0 : index
    %get3A_15 = vector.load %arg3[%get3A_13, %get3A_14] : memref<2560x1xf32, #tpu.memory_space<vmem>>, vector<2560x1xf32>
    %mul3A = vector.broadcast %get3A_15 : vector<2560x1xf32> to vector<2560x40xf32>
    %mul3A_16 = arith.mulf %add3A_12, %mul3A : vector<2560x40xf32>
    %get3A_17 = arith.constant 0 : index
    %get3A_18 = arith.constant 0 : index
    %get3A_19 = vector.load %arg4[%get3A_17, %get3A_18] : memref<1x40xf32, #tpu.memory_space<vmem>>, vector<1x40xf32>
    %add3A_20 = vector.broadcast %get3A_19 : vector<1x40xf32> to vector<2560x40xf32>
    %add3A_21 = arith.addf %mul3A_16, %add3A_20 : vector<2560x40xf32>
    %swap3A = arith.constant 0 : index
    %swap3A_22 = arith.constant 0 : index
    %swap3A_23 = vector.load %arg5[%swap3A, %swap3A_22] : memref<2560x40xf32, #tpu.memory_space<vmem>>, vector<2560x40xf32>
    tpu.vector_store %arg5[%swap3A, %swap3A_22], %add3A_21 {strides = array<i32>} : memref<2560x40xf32, #tpu.memory_space<vmem>>, vector<2560x40xf32>,
    return
  }
  func.func @transform_0(%arg0: i32) -> (i32, i32, i32) {
    %c0_i32 = arith.constant 0 : i32
    %c0_i32_0 = arith.constant 0 : i32
    %c0_i32_1 = arith.constant 0 : i32
    return %c0_i32, %arg0, %c0_i32_0 : i32, i32, i32
  }
  func.func @transform_1(%arg0: i32) -> (i32, i32) {
    %c0_i32 = arith.constant 0 : i32
    %c0_i32_0 = arith.constant 0 : i32
    return %arg0, %c0_i32 : i32, i32
  }
  func.func @transform_2(%arg0: i32) -> (i32, i32) {
    %c0_i32 = arith.constant 0 : i32
    %c0_i32_0 = arith.constant 0 : i32
    return %arg0, %c0_i32 : i32, i32
  }
  func.func @transform_3(%arg0: i32) -> (i32, i32) {
    %c0_i32 = arith.constant 0 : i32
    %c0_i32_0 = arith.constant 0 : i32
    %c0_i32_1 = arith.constant 0 : i32
    return %c0_i32, %c0_i32_0 : i32, i32
  }
  func.func @transform_4(%arg0: i32) -> (i32, i32) {
    %c0_i32 = arith.constant 0 : i32
    %c0_i32_0 = arith.constant 0 : i32
    return %arg0, %c0_i32 : i32, i32
  }
}

</mosaic_0001>

<sc_bundles>
// kernel: kernel.11.cloned.1.call-start
scs
__scs_entry_jumppad:
0x0: {  	(pc) =	sbr.rel $0x88, $3  }
0x1: {  	(tag) =	ssettag $0x0;
	lr =	simm.s32 $0x1  }
0x2: {  	[smem:$0x3F9B] =	sst lr;
	_ =	strace $0xD0000000  }
0x3: {  	_ = 	snop  }
0x4: {  	_ = 	snop  }
0x5: {  	_ = 	snop  }
0x6: {  	_ = 	snop  }
0x7: {  	_ = 	snop  }
__scs_overlays_trampoline_lowered:
0x8: {  	[smem:$0x3FAA] =	sst s0  }
0x9: {  	[smem:$0x3FAB] =	sst s1  }
0xa: {  	[smem:$0x3FAC] =	sst s2  }
0xb: {  	[smem:$0x3FAD] =	sst s3  }
0xc: {  	[smem:$0x3FAE] =	sst s4  }
0xd: {  	[smem:$0x3FAF] =	sst s5  }
0xe: {  	[smem:$0x3FB0] =	sst s6  }
0xf: {  	[smem:$0x3FB1] =	sst s7  }
0x10: {  	[smem:$0x3FB2] =	sst s8  }
0x11: {  	[smem:$0x3FB3] =	sst s9;
	s0 =	simm.s32 @!p0 $0x0  }
0x12: {  	s1 =	sld [smem:$0x3F99];
	s0 =	simm.s32 @p0 $0x1  }
0x13: {  	[smem:$0x3FB4] =	sst s0;
	s0 =	simm.s32 @!p1 $0x0  }
0x14: {  	s2 =	sld [smem:$0x3F98];
	s0 =	simm.s32 @p1 $0x1  }
0x15: {  	[smem:$0x3FB5] =	sst s0;
	s0 =	simm.s32 @!p2 $0x0  }
0x16: {  	s3 =	sld [smem:$0x3FDB];
	s0 =	simm.s32 @p2 $0x1  }
0x17: {  	s4 =	simm.s32 $0x1BF5;
	[smem:$0x3FB7] =	sst s0  }
0x18: {  	s0 =	sld [smem:$0x3F9A];
	_ =	swait.ge [sflag:s4], $0x0  }
0x19: {  	s7 =	sld [smem:$0x3F9B]  }
0x1a: {  	s8 =	sadd.s32 $0xFFFFE003, lr  }
0x1b: {  	s9 =	sadd.s32 $0xFFFFFEF7, lr;
	s5 =	simm.s32 $0xFFFFFFFF;
	p2 =	slt.u32 s8, $0xFFFFF086  }
0x1c: {  	p1 =	slt.u32 s9, $0xF7A;
	s5 =	simm.s32 @!p2 $0x0  }
0x1d: {  	s5 =	simm.s32 @p1 $0x1;
	p0 =	seq.s32 s7, s2  }
0x1e: {  	s7 =	smul.u32 @!p0 $0xF7A, s2;
	p2 =	seq.s32 @!p0 s5, $0x0  }
0x1f: {  	s9 =	smul.u32 $0xF7A, s1;
	s8 =	simm.s32 @!p0 $0x1BF5;
	p2 =	por !p2, p0  }
0x20: {  	[sflag:s8] =	ssyncset.s32 @!p0 $0xFFFFF086;
	s6 =	sadd.s32 @!p0 s3, s7;
	s7 =	simm.s32 @!p0 $0x108  }
0x21: {  	s3 =	sadd.s32 s3, s9;
	s6 =	sadd.s32 @!p0 $0x88, s6;
	s7 =	simm.s32 @p2 $0x1082  }
0x22: {  	[simem:s7], [sflag:s8] =	dma.local @!p0 [hbm:s6], $0xF7A  }
0x23: {  	s9 =	sor.u32 $0xD0000000, s2;
	s6 =	simm.s32 $0x108;
	_ =	swait.ge @!p0 [sflag:s8], $0x0  }
0x24: {  	s3 =	sadd.s32 $0x88, s3;
	s6 =	simm.s32 @!p1 $0x1082;
	[sflag:s4] =	ssyncset.s32 $0xFFFFF086  }
0x25: {  	[simem:s6], [sflag:s4] =	dma.local [hbm:s3], $0xF7A  }
0x26: {  	[smem:$0x3F9B] =	sst s1;
	(tag) =	ssettag s2;
	_ =	strace s9  }
0x27: {  	s1 =	sld [smem:$0x3FAB]  }
0x28: {  	s2 =	sld [smem:$0x3FAC]  }
0x29: {  	s4 =	sld [smem:$0x3FAE]  }
0x2a: {  	p0 =	seq.s32 s5, $0x0;
	s5 =	sld [smem:$0x3FAF]  }
0x2b: {  	s6 =	sld [smem:$0x3FB0]  }
0x2c: {  	s7 =	sld [smem:$0x3FB1]  }
0x2d: {  	s3 =	simm.s32 $0x108;
	s8 =	sld [smem:$0x3FB2]  }
0x2e: {  	s3 =	simm.s32 @!p0 $0x1082;
	s9 =	sld [smem:$0x3FB3]  }
0x2f: {  	lr =	sadd.s32 s0, s3;
	s0 =	sld [smem:$0x3FAA]  }
0x30: {  	s3 =	sld [smem:$0x3FAD]  }
0x31: {  	[smem:$0x3FB6] =	sst s10  }
0x32: {  	s10 =	sld [smem:$0x3FB4];
	_ =	sdelay $0x3  }
0x33: {  	p0 =	seq.s32 s10, $0x1;
	s10 =	sld [smem:$0x3FB6];
	_ =	sdelay $0x3  }
0x34: {  	[smem:$0x3FB6] =	sst s10  }
0x35: {  	s10 =	sld [smem:$0x3FB5];
	_ =	sdelay $0x3  }
0x36: {  	p1 =	seq.s32 s10, $0x1;
	s10 =	sld [smem:$0x3FB6];
	_ =	sdelay $0x3  }
0x37: {  	[smem:$0x3FB6] =	sst s10  }
0x38: {  	s10 =	sld [smem:$0x3FB7]  }
0x39: {  	_ = 	snop;
	(pc) =	sbr.ind lr, $3  }
0x3a: {  	_ = 	snop  }
0x3b: {  	_ = 	snop  }
0x3c: {  	p2 =	seq.s32 s10, $0x1;
	s10 =	sld [smem:$0x3FB6]  }
0x3d: {  	_ =	shalt  }
0x3e: {  	_ =	shalt  }
0x3f: {  	_ =	shalt  }
0x40: {  	_ =	shalt  }
0x41: {  	_ =	shalt  }
0x42: {  	_ =	shalt  }
0x43: {  	_ =	shalt  }
0x44: {  	_ =	shalt  }
0x45: {  	_ =	shalt  }
0x46: {  	_ =	shalt  }
0x47: {  	_ =	shalt  }
0x48: {  	_ =	shalt  }
0x49: {  	_ =	shalt  }
0x4a: {  	_ =	shalt  }
0x4b: {  	_ =	shalt  }
0x4c: {  	_ =	shalt  }
0x4d: {  	_ =	shalt  }
0x4e: {  	_ =	shalt  }
0x4f: {  	_ =	shalt  }
0x50: {  	_ =	shalt  }
0x51: {  	_ =	shalt  }
0x52: {  	_ =	shalt  }
0x53: {  	_ =	shalt  }
0x54: {  	_ =	shalt  }
0x55: {  	_ =	shalt  }
0x56: {  	_ =	shalt  }
0x57: {  	_ =	shalt  }
0x58: {  	_ =	shalt  }
0x59: {  	_ =	shalt  }
0x5a: {  	_ =	shalt  }
0x5b: {  	_ =	shalt  }
0x5c: {  	_ =	shalt  }
0x5d: {  	_ =	shalt  }
0x5e: {  	_ =	shalt  }
0x5f: {  	_ =	shalt  }
0x60: {  	_ =	shalt  }
0x61: {  	_ =	shalt  }
0x62: {  	_ =	shalt  }
0x63: {  	_ =	shalt  }
0x64: {  	_ =	shalt  }
0x65: {  	_ =	shalt  }
0x66: {  	_ =	shalt  }
0x67: {  	_ =	shalt  }
0x68: {  	_ =	shalt  }
0x69: {  	_ =	shalt  }
0x6a: {  	_ =	shalt  }
0x6b: {  	_ =	shalt  }
0x6c: {  	_ =	shalt  }
0x6d: {  	_ =	shalt  }
0x6e: {  	_ =	shalt  }
0x6f: {  	_ =	shalt  }
0x70: {  	_ =	shalt  }
0x71: {  	_ =	shalt  }
0x72: {  	_ =	shalt  }
0x73: {  	_ =	shalt  }
0x74: {  	_ =	shalt  }
0x75: {  	_ =	shalt  }
0x76: {  	_ =	shalt  }
0x77: {  	_ =	shalt  }
0x78: {  	_ =	shalt  }
0x79: {  	_ =	shalt  }
0x7a: {  	_ =	shalt  }
0x7b: {  	_ =	shalt  }
0x7c: {  	_ =	shalt  }
0x7d: {  	_ =	shalt  }
0x7e: {  	_ =	shalt  }
0x7f: {  	_ =	shalt  }
0x80: {  	_ =	shalt  }
0x81: {  	_ =	shalt  }
0x82: {  	_ =	shalt  }
0x83: {  	_ =	shalt  }
0x84: {  	_ =	shalt  }
0x85: {  	_ =	shalt  }
0x86: {  	_ =	shalt  }
0x87: {  	_ =	shalt  }
.Lfunc_end0:
.L_simem_size_0:
called_computation.1_lowered:
.L_overlay_start_0:
0x88: {  	s2 =	sld [smem:$0x3FD9]  }
0x89: {  	s3 =	sld [smem:$0x3FFE];
	_ =	sdelay $0x1  }
0x8a: {  	s1 =	srdreg.scid  }
0x8b: {  	s0 =	sand.u32 $0x1, s1  }
0x8c: {  	s17 =	sshll.u32 s0, $0xA;
	s2 =	sadd.s32 s3, s2  }
0x8d: {  	s2 =	sadd.s32 s2, s17  }
0x8e: {  	[smem:$0x3FC2] =	sst s2  }
0x8f: {  	_ = 	snop  }
0x90: {  	s2 =	sld [smem:$0x3FD0];
	(tm) =	ssettm $0x1  }
0x91: {  	s18 =	sld [smem:$0x3FFB];
	_ =	sdelay $0x3  }
0x92: {  	_ =	strace s18  }
0x93: {  	s3 =	sld [smem:$0x3FFC];
	_ =	sdelay $0x3  }
0x94: {  	_ =	strace s3  }
0x95: {  	s3 =	sld [smem:$0x3FFD];
	_ =	sdelay $0x3  }
0x96: {  	_ =	strace s3  }
0x97: {  	_ =	strace $0x8FFFFFFF  }
0x98: {  	s19 =	sld [smem:$0x3FDB];
	_ =	sdelay $0x1  }
0x99: {  	s4 =	simm.s32 $_scs_section_size  }
0x9a: {  	s5 =	simm.s32 $_size__tile_overlayer_lowered;
	s6 =	simm.s32 $_tile_overlayer_lowered  }
0x9b: {  	s22 =	simm.s32 $0x1BFF;
	s21 =	sshll.u32 s6, $0x1;
	s3 =	sadd.s32 s4, s19  }
0x9c: {  	s7 =	simm.s32 $0x0;
	s20 =	sshll.u32 s5, $0x1;
	s5 =	sadd.s32 s21, s3  }
0x9d: {  	[timem:s7], [sflag:s22] =	dma.local [hbm:s5], s20  }
0x9e: {  	_ =	swait.ge [sflag:s22], s20  }
0x9f: {  	s4 =	ssub.s32 $0x0, s20;
	[sflag:s22] =	ssyncset.done $0x0  }
0xa0: {  	[sflag:s22] =	ssyncadd.s32 s4;
	_ =	sdelay $0x1  }
0xa1: {  	s23 =	simm.s32 $0x1B8B  }
0xa2: {  	_ =	swait.ge [sflag:s23], $0x1  }
0xa3: {  	[sflag:s23] =	ssyncset.done $0x0  }
0xa4: {  	s25 =	simm.s32 $0x1B8E;
	s24 =	sld [smem:$0x3FFE];
	[sflag:s23] =	ssyncadd.s32 $0xFFFFFFFF  }
0xa5: {  	s26 =	simm.s32 $execute0_lowered;
	[smem:$0x3FD2] =	sst s25  }
0xa6: {  	s5 =	sshll.u32 s26, $0x1;
	_ =	strace $0x80000049;
	[dreg:$0x1] =	wrdreg $0xFFFFFFFF  }
0xa7: {  	s28 =	simm.s32 $_size_execute0_lowered;
	s3 =	sadd.s32 s3, s5;
	[dreg:$0x0] =	wrdreg $0x0  }
0xa8: {  	s5 =	sshll.u32 s28, $0x1;
	[dreg:$0x2] =	wrdreg s3  }
0xa9: {  	[dreg:$0x3] =	wrdreg s5  }
0xaa: {  	[dreg:$0x4] =	wrdreg $0xC0  }
0xab: {  	_ =	task [dreg:s7], $0x5FFFF  }
0xac: {  	[dreg:$0x1] =	wrdreg $0xFFFFFFFF  }
0xad: {  	[dreg:$0x0] =	wrdreg $0x60  }
0xae: {  	[dreg:$0x2] =	wrdreg s24  }
0xaf: {  	[dreg:$0x3] =	wrdreg s2  }
0xb0: {  	[dreg:$0x4] =	wrdreg $0xB5400  }
0xb1: {  	[dreg:$0x5] =	wrdreg $0x9  }
0xb2: {  	_ =	task.clear_ibuf [dreg:s7], $0x6FFFF;
	_ =	strace $0x90000049  }
0xb3: {  	s29 =	simm.s32 $0x9;
	_ =	strace $0x8000004B  }
0xb4: {  	_ =	swait.ge [sflag:s29], $0x1  }
0xb5: {  	[sflag:s29] =	ssyncadd.s32 $0xFFFFFFFF  }
0xb6: {  	_ =	strace $0x9000004B  }
0xb7: {  	_ =	sfence  }
0xb8: {  	s30 =	sld [smem:$0x0];
	_ =	sdelay $0x2  }
0xb9: {  	s31 =	sshll.u32 s1, $0xD;
	s1 =	sshrl.u32 s1, $0x2  }
0xba: {  	s3 =	sand.u32 $0x4000, s31;
	s1 =	sadd.s32 s1, s30  }
0xbb: {  	s0 =	sor.u32 s3, s0;
	s1 =	sshll.u32 s1, $0x11  }
0xbc: {  	s0 =	sor.u32 s1, s0  }
0xbd: {  	s0 =	sadd.s32 $0x8F2B, s0  }
0xbe: {  	[sflag:s0] =	ssyncadd.remote.s32 $0x1  }
0xbf: {  	_ =	sfence.sel $0xFFFF  }
0xc0: {  	[dreg:$0x0] =	wrdreg $0xFFFFFFFF;
	(pc) =	sbr.abs _section_cstart, $3  }
0xc1: {  	[dreg:$0x1] =	wrdreg $0xFFFFFFFF  }
0xc2: {  	_ =	task.clear_ibuf [dreg:s7], $0x2FFFF;
	_ =	strace $0x9FFFFFFF  }
0xc3: {  	(tm) =	ssettm $0x7FFFFFFF  }
tec
execute0_lowered:
.L_overlay_start_1:
0x0: {  	(tag) =	ssettag $0x1  }
0x1: {  	s0 =	srdreg.scid;
	s1 =	rddreg [dreg:$0x0]  }
0x2: {  	s10 =	stileid.u32;
	s5 =	rddreg [dreg:$0x1];
	s28 =	simm.s32 $0x5140  }
0x3: {  	s29 =	simm.s32 $0x4;
	s30 =	simm.s32 $0x3;
	s31 =	simm.s32 $0x1  }
0x4: {  	s0 =	sand.u32 $0x1, s0;
	s2 =	sshll.u32 s10, $0x1;
	s8 =	smul.u32 $0x14000, s10  }
0x5: {  	s4 =	sadd.s32 $0x11600, s1;
	s10 =	smul.u32 $0x50000, s10;
	s11 =	sadd.s32 $0x2000, s1  }
0x6: {  	s3 =	sor.u32 s0, s2;
	s2 =	rddreg [dreg:$0x2];
	s7 =	smul.u32 $0x140000, s0  }
0x7: {  	s0 =	ssub.s32 $0x2, s0;
	s6 =	smul.u32 $0x514, s3;
	s3 =	simm.s32 $0x0  }
0x8: {  	s26 =	sshrl.u32 s0, $0x1;
	s12 =	sadd.s32 s8, s2;
	[smem:$0x7FF] =	sst s3  }
0x9: {  	s7 =	sadd.s32 s8, s7;
	s0 =	ssub.s32 s0, s26;
	_ =	strace $0x8000004A  }
0xa: {  	s9 =	sadd.s32 s6, s1;
	s7 =	sshrl.u32 s7, $0x3;
	[dreg:$0x4] =	wrdreg s11  }
0xb: {  	s11 =	sshrl.u32 s10, $0x2;
	s5 =	sadd.s32 s5, s6;
	s0 =	smax.u32 s0, $0x1  }
0xc: {  	s6 =	simm.s32 $0x0;
	s1 =	sadd.s32 s7, s1;
	[dreg:$0x6] =	wrdreg s5  }
0xd: {  	s9 =	sadd.s32 $0x7200, s9;
	[dreg:$0x8] =	wrdreg s0;
	s0 =	simm.s32 $0x8340  }
0xe: {  	[dreg:$0x5] =	wrdreg s9;
	s1 =	sadd.s32 $0x39600, s1;
	s9 =	sadd.s32 s11, s2  }
0xf: {  	s5 =	simm.s32 $0x2;
	[dreg:$0x7] =	wrdreg s1;
	s25 =	sadd.s32 $0x1400, s9  }
0x10: {  	s26 =	sadd.s32 $0x2800, s9;
	s13 =	sadd.s32 $0x3C00, s9;
	s14 =	sadd.s32 $0x5000, s9  }
0x11: {  	s15 =	sadd.s32 $0x6400, s9;
	s16 =	sadd.s32 $0x7800, s9;
	s17 =	sadd.s32 $0x8C00, s9  }
0x12: {  	s18 =	sadd.s32 $0xA000, s9;
	s19 =	sadd.s32 $0xB400, s9;
	s20 =	sadd.s32 $0xC800, s9  }
0x13: {  	s21 =	sadd.s32 $0xDC00, s9;
	s22 =	sadd.s32 $0xF000, s9;
	s23 =	sadd.s32 $0x10400, s9  }
0x14: {  	s24 =	sadd.s32 $0x11800, s9;
	s1 =	simm.s32 $0x64;
	[dreg:$0x9] =	wrdreg s25  }
0x15: {  	[dreg:$0xa] =	wrdreg s26;
	s25 =	sshrl.u32 s12, $0x3;
	s26 =	sadd.s32 $0x12C00, s9  }
.LBB2_1:
0x16: {  	s7 =	rddreg [dreg:$0x5]  }
0x17: {  	[tilespmem:s3], [sflag:$0x3] =	stream.linear.gather [hbm4b:s7+s3], $0x28A0, $0x38;
	[tilespmem:$0x1F540] =	vst v63  }
0x18: {  	s8 =	rddreg [dreg:$0x4]  }
0x19: {  	[tilespmem:s28], [sflag:$0x4] =	stream.linear.gather [hbm4b:s8+s3], $0x1400, $0x38;
	[tilespmem:$0x1F540] =	vst v63  }
0x1a: {  	_ =	swait.ge [sflag:s29], $0x1400  }
0x1b: {  	[sflag:s29] =	ssyncset.done $0x0  }
0x1c: {  	[sflag:s29] =	ssyncadd.s32 $0xFFFFEC00  }
0x1d: {  	[spmem:s9] =	stream.linear.scatter [tilespmem:s28], [sflag:$0x4], $0x1400, $0x38;
	[tilespmem:$0x1F540] =	vst v63  }
0x1e: {  	_ =	swait.ge [sflag:s29], $0x1400  }
0x1f: {  	[sflag:s29] =	ssyncset.done $0x0  }
0x20: {  	s10 =	rddreg [dreg:$0x9];
	[sflag:s29] =	ssyncadd.s32 $0xFFFFEC00  }
0x21: {  	[spmem:s10] =	stream.linear.scatter [tilespmem:s28], [sflag:$0x4], $0x1400, $0x38;
	[tilespmem:$0x1F540] =	vst v63  }
0x22: {  	_ =	swait.ge [sflag:s29], $0x1400  }
0x23: {  	[sflag:s29] =	ssyncset.done $0x0  }
0x24: {  	s11 =	rddreg [dreg:$0xa];
	[sflag:s29] =	ssyncadd.s32 $0xFFFFEC00  }
0x25: {  	[spmem:s11] =	stream.linear.scatter [tilespmem:s28], [sflag:$0x4], $0x1400, $0x38;
	[tilespmem:$0x1F540] =	vst v63  }
0x26: {  	_ =	swait.ge [sflag:s29], $0x1400  }
0x27: {  	[sflag:s29] =	ssyncset.done $0x0  }
0x28: {  	[sflag:s29] =	ssyncadd.s32 $0xFFFFEC00  }
0x29: {  	[spmem:s13] =	stream.linear.scatter [tilespmem:s28], [sflag:$0x4], $0x1400, $0x38;
	[tilespmem:$0x1F540] =	vst v63  }
0x2a: {  	_ =	swait.ge [sflag:s29], $0x1400  }
0x2b: {  	[sflag:s29] =	ssyncset.done $0x0  }
0x2c: {  	[sflag:s29] =	ssyncadd.s32 $0xFFFFEC00  }
0x2d: {  	[spmem:s14] =	stream.linear.scatter [tilespmem:s28], [sflag:$0x4], $0x1400, $0x38;
	[tilespmem:$0x1F540] =	vst v63  }
0x2e: {  	_ =	swait.ge [sflag:s29], $0x1400  }
0x2f: {  	[sflag:s29] =	ssyncset.done $0x0  }
0x30: {  	[sflag:s29] =	ssyncadd.s32 $0xFFFFEC00  }
0x31: {  	[spmem:s15] =	stream.linear.scatter [tilespmem:s28], [sflag:$0x4], $0x1400, $0x38;
	[tilespmem:$0x1F540] =	vst v63  }
0x32: {  	_ =	swait.ge [sflag:s29], $0x1400  }
0x33: {  	[sflag:s29] =	ssyncset.done $0x0  }
0x34: {  	[sflag:s29] =	ssyncadd.s32 $0xFFFFEC00  }
0x35: {  	[spmem:s16] =	stream.linear.scatter [tilespmem:s28], [sflag:$0x4], $0x1400, $0x38;
	[tilespmem:$0x1F540] =	vst v63  }
0x36: {  	_ =	swait.ge [sflag:s29], $0x1400  }
0x37: {  	[sflag:s29] =	ssyncset.done $0x0  }
0x38: {  	[sflag:s29] =	ssyncadd.s32 $0xFFFFEC00  }
0x39: {  	[spmem:s17] =	stream.linear.scatter [tilespmem:s28], [sflag:$0x4], $0x1400, $0x38;
	[tilespmem:$0x1F540] =	vst v63  }
0x3a: {  	_ =	swait.ge [sflag:s29], $0x1400  }
0x3b: {  	[sflag:s29] =	ssyncset.done $0x0  }
0x3c: {  	[sflag:s29] =	ssyncadd.s32 $0xFFFFEC00  }
0x3d: {  	[spmem:s18] =	stream.linear.scatter [tilespmem:s28], [sflag:$0x4], $0x1400, $0x38;
	[tilespmem:$0x1F540] =	vst v63  }
0x3e: {  	_ =	swait.ge [sflag:s29], $0x1400  }
0x3f: {  	[sflag:s29] =	ssyncset.done $0x0  }
0x40: {  	[sflag:s29] =	ssyncadd.s32 $0xFFFFEC00  }
0x41: {  	[spmem:s19] =	stream.linear.scatter [tilespmem:s28], [sflag:$0x4], $0x1400, $0x38;
	[tilespmem:$0x1F540] =	vst v63  }
0x42: {  	_ =	swait.ge [sflag:s29], $0x1400  }
0x43: {  	[sflag:s29] =	ssyncset.done $0x0  }
0x44: {  	[sflag:s29] =	ssyncadd.s32 $0xFFFFEC00  }
0x45: {  	[spmem:s20] =	stream.linear.scatter [tilespmem:s28], [sflag:$0x4], $0x1400, $0x38;
	[tilespmem:$0x1F540] =	vst v63  }
0x46: {  	_ =	swait.ge [sflag:s29], $0x1400  }
0x47: {  	[sflag:s29] =	ssyncset.done $0x0  }
0x48: {  	[sflag:s29] =	ssyncadd.s32 $0xFFFFEC00  }
0x49: {  	[spmem:s21] =	stream.linear.scatter [tilespmem:s28], [sflag:$0x4], $0x1400, $0x38;
	[tilespmem:$0x1F540] =	vst v63  }
0x4a: {  	_ =	swait.ge [sflag:s29], $0x1400  }
0x4b: {  	[sflag:s29] =	ssyncset.done $0x0  }
0x4c: {  	[sflag:s29] =	ssyncadd.s32 $0xFFFFEC00  }
0x4d: {  	[spmem:s22] =	stream.linear.scatter [tilespmem:s28], [sflag:$0x4], $0x1400, $0x38;
	[tilespmem:$0x1F540] =	vst v63  }
0x4e: {  	_ =	swait.ge [sflag:s29], $0x1400  }
0x4f: {  	[sflag:s29] =	ssyncset.done $0x0  }
0x50: {  	[sflag:s29] =	ssyncadd.s32 $0xFFFFEC00  }
0x51: {  	[spmem:s23] =	stream.linear.scatter [tilespmem:s28], [sflag:$0x4], $0x1400, $0x38;
	[tilespmem:$0x1F540] =	vst v63  }
0x52: {  	_ =	swait.ge [sflag:s29], $0x1400  }
0x53: {  	[sflag:s29] =	ssyncset.done $0x0  }
0x54: {  	[sflag:s29] =	ssyncadd.s32 $0xFFFFEC00  }
0x55: {  	[spmem:s24] =	stream.linear.scatter [tilespmem:s28], [sflag:$0x4], $0x1400, $0x38;
	[tilespmem:$0x1F540] =	vst v63  }
0x56: {  	_ =	swait.ge [sflag:s29], $0x1400  }
0x57: {  	[sflag:s29] =	ssyncset.done $0x0  }
0x58: {  	[sflag:s29] =	ssyncadd.s32 $0xFFFFEC00  }
0x59: {  	[spmem:s26] =	stream.linear.scatter [tilespmem:s28], [sflag:$0x4], $0x1400, $0x38;
	[tilespmem:$0x1F540] =	vst v63  }
0x5a: {  	_ =	swait.ge [sflag:s29], $0x1400  }
0x5b: {  	[sflag:s29] =	ssyncset.done $0x0  }
0x5c: {  	[sflag:s29] =	ssyncadd.s32 $0xFFFFEC00  }
0x5d: {  	_ =	swait.ge [sflag:s30], $0x28A0  }
0x5e: {  	[sflag:s30] =	ssyncset.done $0x0  }
0x5f: {  	s8 =	simm.s32 $0x28A0;
	s12 =	rddreg [dreg:$0x6];
	[sflag:s30] =	ssyncadd.s32 $0xFFFFD760  }
0x60: {  	[tilespmem:s8], [sflag:$0x4] =	stream.linear.gather [hbm4b:s12+s3], $0x28A0, $0x38;
	[tilespmem:$0x1F540] =	vst v63  }
0x61: {  	_ =	swait.ge [sflag:s29], $0x28A0  }
0x62: {  	[sflag:s29] =	ssyncset.done $0x0  }
0x63: {  	[sflag:s29] =	ssyncadd.s32 $0xFFFFD760  }
0x64: {  	[bflag:$0x0] =	sbarrier.arrive $0xFFFF  }
0x65: {  	[tilespmem:s28], [sflag:$0x1] =	stream.indirect.gather [hbm4b:s4+s1], $0x80, s3, s1, $0xb8;
	[tilespmem:$0x1F540] =	vst v63  }
0x66: {  	s8 =	simm.s32 $0x68  }
0x67: {  	[tilespmem:s0], [sflag:$0x2] =	stream.indirect.gather [hbm4b:s4+s1], $0x80, s8, s1, $0xb8;
	[tilespmem:$0x1F540] =	vst v63  }
0x68: {  	_ =	swait.ge [sflag:s31], $0x3200  }
0x69: {  	[sflag:s31] =	ssyncset.done $0x0  }
0x6a: {  	s10 =	simm.s32 $0x28A0;
	[sflag:s31] =	ssyncadd.s32 $0xFFFFCE00  }
0x6b: {  	[spmem:s2] =	stream.indirect.scatter.add.f32 [tilespmem:s28], [sflag:$0x4], $0x80, s10, s1, $0xb8;
	[tilespmem:$0x1F540] =	vst v63  }
0x6c: {  	_ =	swait.ge [sflag:s29], $0x3200  }
0x6d: {  	[sflag:s29] =	ssyncset.done $0x0  }
0x6e: {  	s11 =	simm.s32 $0xD0;
	[sflag:s29] =	ssyncadd.s32 $0xFFFFCE00  }
0x6f: {  	[tilespmem:s28], [sflag:$0x1] =	stream.indirect.gather [hbm4b:s4+s1], $0x80, s11, s1, $0xb8;
	[tilespmem:$0x1F540] =	vst v63  }
0x70: {  	_ =	swait.ge [sflag:s5], $0x3200  }
0x71: {  	[sflag:s5] =	ssyncset.done $0x0  }
0x72: {  	s12 =	simm.s32 $0x2908;
	[sflag:s5] =	ssyncadd.s32 $0xFFFFCE00  }
0x73: {  	[spmem:s2] =	stream.indirect.scatter.add.f32 [tilespmem:s0], [sflag:$0x4], $0x80, s12, s1, $0xb8;
	[tilespmem:$0x1F540] =	vst v63  }
0x74: {  	_ =	swait.ge [sflag:s29], $0x3200  }
0x75: {  	s7 =	simm.s32 $0xD0;
	s8 =	simm.s32 $0x680;
	[sflag:s29] =	ssyncset.done $0x0  }
.LBB2_2:
0x76: {  	s10 =	sadd.s32 $0x68, s7  }
0x77: {  	[sflag:s29] =	ssyncadd.s32 $0xFFFFCE00;
	s11 =	smov.u32 s8;
	s12 =	sadd.s32 $0x340, s8  }
0x78: {  	[tilespmem:s0], [sflag:$0x2] =	stream.indirect.gather [hbm4b:s4+s1], $0x80, s10, s1, $0xb8;
	[tilespmem:$0x1F540] =	vst v63  }
0x79: {  	p0 =	sne.s32 s8, $0x9C00;
	_ =	swait.ge [sflag:s31], $0x3200  }
0x7a: {  	[sflag:s31] =	ssyncset.done $0x0  }
0x7b: {  	s8 =	sadd.s32 $0x28A0, s7;
	[sflag:s31] =	ssyncadd.s32 $0xFFFFCE00  }
0x7c: {  	[spmem:s2] =	stream.indirect.scatter.add.f32 [tilespmem:s28], [sflag:$0x4], $0x80, s8, s1, $0xb8;
	[tilespmem:$0x1F540] =	vst v63  }
0x7d: {  	_ =	swait.ge [sflag:s29], $0x3200  }
0x7e: {  	[sflag:s29] =	ssyncset.done $0x0  }
0x7f: {  	s8 =	sadd.s32 $0xD0, s7;
	[sflag:s29] =	ssyncadd.s32 $0xFFFFCE00  }
0x80: {  	[tilespmem:s28], [sflag:$0x1] =	stream.indirect.gather [hbm4b:s4+s1], $0x80, s8, s1, $0xb8;
	[tilespmem:$0x1F540] =	vst v63  }
0x81: {  	_ =	swait.ge [sflag:s5], $0x3200  }
.Ltmp0:
0x82: {  	[sflag:s5] =	ssyncset.done $0x0;
	(pc) =	sbr.rel @p0 .LBB2_2-.Ltmp0, $4  }
0x83: {  	s7 =	sadd.s32 $0x2908, s7;
	[sflag:s5] =	ssyncadd.s32 $0xFFFFCE00  }
0x84: {  	[spmem:s2] =	stream.indirect.scatter.add.f32 [tilespmem:s0], [sflag:$0x4], $0x80, s7, s1, $0xb8;
	[tilespmem:$0x1F540] =	vst v63  }
0x85: {  	_ =	swait.ge [sflag:s29], $0x3200  }
0x86: {  	s8 =	smov.u32 s12;
	s7 =	sshra.s32 s11, $0x2;
	[sflag:s29] =	ssyncset.done $0x0  }
0x87: {  	s8 =	sadd.s32 $0x68, s7;
	[sflag:s29] =	ssyncadd.s32 $0xFFFFCE00  }
0x88: {  	[tilespmem:s0], [sflag:$0x2] =	stream.indirect.gather [hbm4b:s4+s1], $0x80, s8, s1, $0xb8;
	[tilespmem:$0x1F540] =	vst v63  }
0x89: {  	_ =	swait.ge [sflag:s31], $0x3200  }
0x8a: {  	[sflag:s31] =	ssyncset.done $0x0  }
0x8b: {  	s11 =	sadd.s32 $0x28A0, s7;
	[sflag:s31] =	ssyncadd.s32 $0xFFFFCE00  }
0x8c: {  	[spmem:s2] =	stream.indirect.scatter.add.f32 [tilespmem:s28], [sflag:$0x4], $0x80, s11, s1, $0xb8;
	[tilespmem:$0x1F540] =	vst v63  }
0x8d: {  	_ =	swait.ge [sflag:s29], $0x3200  }
0x8e: {  	[sflag:s29] =	ssyncset.done $0x0  }
0x8f: {  	s12 =	sadd.s32 $0xD0, s7;
	[sflag:s29] =	ssyncadd.s32 $0xFFFFCE00  }
0x90: {  	[tilespmem:s28], [sflag:$0x1] =	stream.indirect.gather [hbm4b:s4+s1], $0x80, s12, s1, $0xb8;
	[tilespmem:$0x1F540] =	vst v63  }
0x91: {  	_ =	swait.ge [sflag:s5], $0x3200  }
0x92: {  	[sflag:s5] =	ssyncset.done $0x0  }
0x93: {  	s10 =	sadd.s32 $0x2908, s7;
	[sflag:s5] =	ssyncadd.s32 $0xFFFFCE00  }
0x94: {  	[spmem:s2] =	stream.indirect.scatter.add.f32 [tilespmem:s0], [sflag:$0x4], $0x80, s10, s1, $0xb8;
	[tilespmem:$0x1F540] =	vst v63  }
0x95: {  	_ =	swait.ge [sflag:s29], $0x3200  }
0x96: {  	[sflag:s29] =	ssyncset.done $0x0  }
0x97: {  	s11 =	simm.s32 $0x2838;
	[sflag:s29] =	ssyncadd.s32 $0xFFFFCE00  }
0x98: {  	[tilespmem:s0], [sflag:$0x2] =	stream.indirect.gather [hbm4b:s4+s1], $0x80, s11, s1, $0xb8;
	[tilespmem:$0x1F540] =	vst v63  }
0x99: {  	_ =	swait.ge [sflag:s31], $0x3200  }
0x9a: {  	[sflag:s31] =	ssyncset.done $0x0  }
0x9b: {  	s12 =	simm.s32 $0x5070;
	[sflag:s31] =	ssyncadd.s32 $0xFFFFCE00  }
0x9c: {  	[spmem:s2] =	stream.indirect.scatter.add.f32 [tilespmem:s28], [sflag:$0x4], $0x80, s12, s1, $0xb8;
	[tilespmem:$0x1F540] =	vst v63  }
0x9d: {  	_ =	swait.ge [sflag:s29], $0x3200  }
0x9e: {  	[sflag:s29] =	ssyncset.done $0x0  }
0x9f: {  	[sflag:s29] =	ssyncadd.s32 $0xFFFFCE00  }
0xa0: {  	_ =	swait.ge [sflag:s5], $0x3200  }
0xa1: {  	[sflag:s5] =	ssyncset.done $0x0  }
0xa2: {  	s8 =	simm.s32 $0x50D8;
	[sflag:s5] =	ssyncadd.s32 $0xFFFFCE00  }
0xa3: {  	[spmem:s2] =	stream.indirect.scatter.add.f32 [tilespmem:s0], [sflag:$0x4], $0x80, s8, s1, $0xb8;
	[tilespmem:$0x1F540] =	vst v63  }
0xa4: {  	_ =	swait.ge [sflag:s29], $0x3200  }
0xa5: {  	[sflag:s29] =	ssyncset.done $0x0  }
0xa6: {  	s10 =	stileid.u32;
	[sflag:s29] =	ssyncadd.s32 $0xFFFFCE00  }
0xa7: {  	s7 =	sshll.u32 s10, $0x6;
	[bflag:$0x0] =	sbarrier.arrive $0xFFFF  }
0xa8: {  	s7 =	sor.u32 $0x1C04, s7;
	s11 =	rddreg [dreg:$0x7]  }
0xa9: {  	[hbm:s11], [sflag:s7] =	dma.local [spmem:s25], $0x2800  }
0xaa: {  	_ =	swait.ge [sflag:s29], $0x2800  }
0xab: {  	s6 =	sadd.s32 $0x1, s6;
	s12 =	rddreg [dreg:$0x8]  }
0xac: {  	p0 =	sne.s32 s6, s12  }
.Ltmp1:
0xad: {  	_ = 	snop;
	(pc) =	sbr.rel @p0 .LBB2_1-.Ltmp1, $3  }
0xae: {  	_ =	sdelay $0x1  }
0xaf: {  	[sflag:s29] =	ssyncset.done $0x0  }
0xb0: {  	[sflag:s29] =	ssyncadd.s32 $0xFFFFD800  }
0xb1: {  	_ =	sfence.sel $0x180000  }
0xb2: {  	[bflag:$0x0] =	sbarrier.arrive $0xFFFF  }
0xb3: {  	_ =	strace $0x9000004A  }
0xb4: {  	s0 =	stileid.u32;
	[bflag:$0x2] =	sbarrier.arrive $0xFFFF  }
0xb5: {  	p0 =	sne.s32 s0, $0x0;
	s0 =	rddreg [dreg:$0x3]  }
0xb6: {  	s0 =	sadd.s32 @!p0 $0x100000, s0  }
0xb7: {  	[sflag:s0] =	ssyncadd.tile.s32 @!p0 $0x1;
	_ =	shalt  }
.Lfunc_end2:
_tile_overlayer_lowered:
.L_overlay_start_2:
0xb8: {  	(tag) =	ssettag $0x2  }
0xb9: {  	s0 =	rddreg [dreg:$0x0];
	s2 =	stileid.u32  }
0xba: {  	s1 =	rddreg [dreg:$0x1];
	p0 =	sne.s32 s2, $0x0  }
0xbb: {  	s3 =	rddreg [dreg:$0x2];
	[bflag:$0x3] =	sbarrier.arrive $0xFFFF;
	s2 =	simm.s32 @!p0 $0x1C04  }
0xbc: {  	[timem:s3], [sflag:s2] =	dma.local @!p0 [hbm:s0], s1  }
0xbd: {  	s0 =	simm.s32 @!p0 $0x4  }
0xbe: {  	_ =	swait.ge @!p0 [sflag:s0], s1  }
0xbf: {  	s1 =	ssub.s32 @!p0 $0x0, s1;
	[sflag:s0] =	ssyncset.done @!p0 $0x0  }
0xc0: {  	[sflag:s0] =	ssyncadd.s32 @!p0 s1  }
0xc1: {  	[bflag:$0x3] =	sbarrier.arrive $0xFFFF  }
0xc2: {  	_ =	shalt  }

// kernel: kernel.14.cloned.1.call-start
scs
__scs_entry_jumppad:
0x0: {  	(pc) =	sbr.rel $0x88, $3  }
0x1: {  	(tag) =	ssettag $0x0;
	lr =	simm.s32 $0x1  }
0x2: {  	[smem:$0x3F9B] =	sst lr;
	_ =	strace $0xD0000000  }
0x3: {  	_ = 	snop  }
0x4: {  	_ = 	snop  }
0x5: {  	_ = 	snop  }
0x6: {  	_ = 	snop  }
0x7: {  	_ = 	snop  }
__scs_overlays_trampoline_lowered:
0x8: {  	[smem:$0x3FAA] =	sst s0  }
0x9: {  	[smem:$0x3FAB] =	sst s1  }
0xa: {  	[smem:$0x3FAC] =	sst s2  }
0xb: {  	[smem:$0x3FAD] =	sst s3  }
0xc: {  	[smem:$0x3FAE] =	sst s4  }
0xd: {  	[smem:$0x3FAF] =	sst s5  }
0xe: {  	[smem:$0x3FB0] =	sst s6  }
0xf: {  	[smem:$0x3FB1] =	sst s7  }
0x10: {  	[smem:$0x3FB2] =	sst s8  }
0x11: {  	[smem:$0x3FB3] =	sst s9;
	s0 =	simm.s32 @!p0 $0x0  }
0x12: {  	s1 =	sld [smem:$0x3F99];
	s0 =	simm.s32 @p0 $0x1  }
0x13: {  	[smem:$0x3FB4] =	sst s0;
	s0 =	simm.s32 @!p1 $0x0  }
0x14: {  	s2 =	sld [smem:$0x3F98];
	s0 =	simm.s32 @p1 $0x1  }
0x15: {  	[smem:$0x3FB5] =	sst s0;
	s0 =	simm.s32 @!p2 $0x0  }
0x16: {  	s3 =	sld [smem:$0x3FDB];
	s0 =	simm.s32 @p2 $0x1  }
0x17: {  	s4 =	simm.s32 $0x1BF5;
	[smem:$0x3FB7] =	sst s0  }
0x18: {  	s0 =	sld [smem:$0x3F9A];
	_ =	swait.ge [sflag:s4], $0x0  }
0x19: {  	s7 =	sld [smem:$0x3F9B]  }
0x1a: {  	s8 =	sadd.s32 $0xFFFFE003, lr  }
0x1b: {  	s9 =	sadd.s32 $0xFFFFFEF7, lr;
	s5 =	simm.s32 $0xFFFFFFFF;
	p2 =	slt.u32 s8, $0xFFFFF086  }
0x1c: {  	p1 =	slt.u32 s9, $0xF7A;
	s5 =	simm.s32 @!p2 $0x0  }
0x1d: {  	s5 =	simm.s32 @p1 $0x1;
	p0 =	seq.s32 s7, s2  }
0x1e: {  	s7 =	smul.u32 @!p0 $0xF7A, s2;
	p2 =	seq.s32 @!p0 s5, $0x0  }
0x1f: {  	s9 =	smul.u32 $0xF7A, s1;
	s8 =	simm.s32 @!p0 $0x1BF5;
	p2 =	por !p2, p0  }
0x20: {  	[sflag:s8] =	ssyncset.s32 @!p0 $0xFFFFF086;
	s6 =	sadd.s32 @!p0 s3, s7;
	s7 =	simm.s32 @!p0 $0x108  }
0x21: {  	s3 =	sadd.s32 s3, s9;
	s6 =	sadd.s32 @!p0 $0x88, s6;
	s7 =	simm.s32 @p2 $0x1082  }
0x22: {  	[simem:s7], [sflag:s8] =	dma.local @!p0 [hbm:s6], $0xF7A  }
0x23: {  	s9 =	sor.u32 $0xD0000000, s2;
	s6 =	simm.s32 $0x108;
	_ =	swait.ge @!p0 [sflag:s8], $0x0  }
0x24: {  	s3 =	sadd.s32 $0x88, s3;
	s6 =	simm.s32 @!p1 $0x1082;
	[sflag:s4] =	ssyncset.s32 $0xFFFFF086  }
0x25: {  	[simem:s6], [sflag:s4] =	dma.local [hbm:s3], $0xF7A  }
0x26: {  	[smem:$0x3F9B] =	sst s1;
	(tag) =	ssettag s2;
	_ =	strace s9  }
0x27: {  	s1 =	sld [smem:$0x3FAB]  }
0x28: {  	s2 =	sld [smem:$0x3FAC]  }
0x29: {  	s4 =	sld [smem:$0x3FAE]  }
0x2a: {  	p0 =	seq.s32 s5, $0x0;
	s5 =	sld [smem:$0x3FAF]  }
0x2b: {  	s6 =	sld [smem:$0x3FB0]  }
0x2c: {  	s7 =	sld [smem:$0x3FB1]  }
0x2d: {  	s3 =	simm.s32 $0x108;
	s8 =	sld [smem:$0x3FB2]  }
0x2e: {  	s3 =	simm.s32 @!p0 $0x1082;
	s9 =	sld [smem:$0x3FB3]  }
0x2f: {  	lr =	sadd.s32 s0, s3;
	s0 =	sld [smem:$0x3FAA]  }
0x30: {  	s3 =	sld [smem:$0x3FAD]  }
0x31: {  	[smem:$0x3FB6] =	sst s10  }
0x32: {  	s10 =	sld [smem:$0x3FB4];
	_ =	sdelay $0x3  }
0x33: {  	p0 =	seq.s32 s10, $0x1;
	s10 =	sld [smem:$0x3FB6];
	_ =	sdelay $0x3  }
0x34: {  	[smem:$0x3FB6] =	sst s10  }
0x35: {  	s10 =	sld [smem:$0x3FB5];
	_ =	sdelay $0x3  }
0x36: {  	p1 =	seq.s32 s10, $0x1;
	s10 =	sld [smem:$0x3FB6];
	_ =	sdelay $0x3  }
0x37: {  	[smem:$0x3FB6] =	sst s10  }
0x38: {  	s10 =	sld [smem:$0x3FB7]  }
0x39: {  	_ = 	snop;
	(pc) =	sbr.ind lr, $3  }
0x3a: {  	_ = 	snop  }
0x3b: {  	_ = 	snop  }
0x3c: {  	p2 =	seq.s32 s10, $0x1;
	s10 =	sld [smem:$0x3FB6]  }
0x3d: {  	_ =	shalt  }
0x3e: {  	_ =	shalt  }
0x3f: {  	_ =	shalt  }
0x40: {  	_ =	shalt  }
0x41: {  	_ =	shalt  }
0x42: {  	_ =	shalt  }
0x43: {  	_ =	shalt  }
0x44: {  	_ =	shalt  }
0x45: {  	_ =	shalt  }
0x46: {  	_ =	shalt  }
0x47: {  	_ =	shalt  }
0x48: {  	_ =	shalt  }
0x49: {  	_ =	shalt  }
0x4a: {  	_ =	shalt  }
0x4b: {  	_ =	shalt  }
0x4c: {  	_ =	shalt  }
0x4d: {  	_ =	shalt  }
0x4e: {  	_ =	shalt  }
0x4f: {  	_ =	shalt  }
0x50: {  	_ =	shalt  }
0x51: {  	_ =	shalt  }
0x52: {  	_ =	shalt  }
0x53: {  	_ =	shalt  }
0x54: {  	_ =	shalt  }
0x55: {  	_ =	shalt  }
0x56: {  	_ =	shalt  }
0x57: {  	_ =	shalt  }
0x58: {  	_ =	shalt  }
0x59: {  	_ =	shalt  }
0x5a: {  	_ =	shalt  }
0x5b: {  	_ =	shalt  }
0x5c: {  	_ =	shalt  }
0x5d: {  	_ =	shalt  }
0x5e: {  	_ =	shalt  }
0x5f: {  	_ =	shalt  }
0x60: {  	_ =	shalt  }
0x61: {  	_ =	shalt  }
0x62: {  	_ =	shalt  }
0x63: {  	_ =	shalt  }
0x64: {  	_ =	shalt  }
0x65: {  	_ =	shalt  }
0x66: {  	_ =	shalt  }
0x67: {  	_ =	shalt  }
0x68: {  	_ =	shalt  }
0x69: {  	_ =	shalt  }
0x6a: {  	_ =	shalt  }
0x6b: {  	_ =	shalt  }
0x6c: {  	_ =	shalt  }
0x6d: {  	_ =	shalt  }
0x6e: {  	_ =	shalt  }
0x6f: {  	_ =	shalt  }
0x70: {  	_ =	shalt  }
0x71: {  	_ =	shalt  }
0x72: {  	_ =	shalt  }
0x73: {  	_ =	shalt  }
0x74: {  	_ =	shalt  }
0x75: {  	_ =	shalt  }
0x76: {  	_ =	shalt  }
0x77: {  	_ =	shalt  }
0x78: {  	_ =	shalt  }
0x79: {  	_ =	shalt  }
0x7a: {  	_ =	shalt  }
0x7b: {  	_ =	shalt  }
0x7c: {  	_ =	shalt  }
0x7d: {  	_ =	shalt  }
0x7e: {  	_ =	shalt  }
0x7f: {  	_ =	shalt  }
0x80: {  	_ =	shalt  }
0x81: {  	_ =	shalt  }
0x82: {  	_ =	shalt  }
0x83: {  	_ =	shalt  }
0x84: {  	_ =	shalt  }
0x85: {  	_ =	shalt  }
0x86: {  	_ =	shalt  }
0x87: {  	_ =	shalt  }
.Lfunc_end0:
.L_simem_size_0:
called_computation.2_lowered:
.L_overlay_start_0:
0x88: {  	s2 =	sld [smem:$0x3FD9]  }
0x89: {  	s3 =	sld [smem:$0x3FFE];
	_ =	sdelay $0x1  }
0x8a: {  	s1 =	srdreg.scid  }
0x8b: {  	s0 =	sand.u32 $0x1, s1  }
0x8c: {  	s17 =	sshll.u32 s0, $0xA;
	s2 =	sadd.s32 s3, s2  }
0x8d: {  	s2 =	sadd.s32 s2, s17  }
0x8e: {  	[smem:$0x3FC2] =	sst s2  }
0x8f: {  	_ = 	snop  }
0x90: {  	s2 =	sld [smem:$0x3FD0];
	(tm) =	ssettm $0x1  }
0x91: {  	s18 =	sld [smem:$0x3FFB];
	_ =	sdelay $0x3  }
0x92: {  	_ =	strace s18  }
0x93: {  	s3 =	sld [smem:$0x3FFC];
	_ =	sdelay $0x3  }
0x94: {  	_ =	strace s3  }
0x95: {  	s3 =	sld [smem:$0x3FFD];
	_ =	sdelay $0x3  }
0x96: {  	_ =	strace s3  }
0x97: {  	_ =	strace $0x8FFFFFFF  }
0x98: {  	s19 =	sld [smem:$0x3FDB];
	_ =	sdelay $0x1  }
0x99: {  	s4 =	simm.s32 $_scs_section_size  }
0x9a: {  	s5 =	simm.s32 $_size__tile_overlayer_lowered;
	s6 =	simm.s32 $_tile_overlayer_lowered  }
0x9b: {  	s22 =	simm.s32 $0x1BFF;
	s21 =	sshll.u32 s6, $0x1;
	s3 =	sadd.s32 s4, s19  }
0x9c: {  	s7 =	simm.s32 $0x0;
	s20 =	sshll.u32 s5, $0x1;
	s5 =	sadd.s32 s21, s3  }
0x9d: {  	[timem:s7], [sflag:s22] =	dma.local [hbm:s5], s20  }
0x9e: {  	_ =	swait.ge [sflag:s22], s20  }
0x9f: {  	s4 =	ssub.s32 $0x0, s20;
	[sflag:s22] =	ssyncset.done $0x0  }
0xa0: {  	[sflag:s22] =	ssyncadd.s32 s4;
	_ =	sdelay $0x1  }
0xa1: {  	s23 =	simm.s32 $0x1B8B  }
0xa2: {  	_ =	swait.ge [sflag:s23], $0x1  }
0xa3: {  	[sflag:s23] =	ssyncset.done $0x0  }
0xa4: {  	s25 =	simm.s32 $0x1B8E;
	s24 =	sld [smem:$0x3FFE];
	[sflag:s23] =	ssyncadd.s32 $0xFFFFFFFF  }
0xa5: {  	s26 =	simm.s32 $execute0_lowered;
	[smem:$0x3FD2] =	sst s25  }
0xa6: {  	s5 =	sshll.u32 s26, $0x1;
	_ =	strace $0x8000004C;
	[dreg:$0x1] =	wrdreg $0xFFFFFFFF  }
0xa7: {  	s28 =	simm.s32 $_size_execute0_lowered;
	s3 =	sadd.s32 s3, s5;
	[dreg:$0x0] =	wrdreg $0x0  }
0xa8: {  	s5 =	sshll.u32 s28, $0x1;
	[dreg:$0x2] =	wrdreg s3  }
0xa9: {  	[dreg:$0x3] =	wrdreg s5  }
0xaa: {  	[dreg:$0x4] =	wrdreg $0xC0  }
0xab: {  	_ =	task [dreg:s7], $0x5FFFF  }
0xac: {  	[dreg:$0x1] =	wrdreg $0xFFFFFFFF  }
0xad: {  	[dreg:$0x0] =	wrdreg $0x60  }
0xae: {  	[dreg:$0x2] =	wrdreg s24  }
0xaf: {  	[dreg:$0x3] =	wrdreg s2  }
0xb0: {  	[dreg:$0x4] =	wrdreg $0x8FC00  }
0xb1: {  	[dreg:$0x5] =	wrdreg $0x9  }
0xb2: {  	_ =	task.clear_ibuf [dreg:s7], $0x6FFFF;
	_ =	strace $0x9000004C  }
0xb3: {  	s29 =	simm.s32 $0x9;
	_ =	strace $0x8000004E  }
0xb4: {  	_ =	swait.ge [sflag:s29], $0x1  }
0xb5: {  	[sflag:s29] =	ssyncadd.s32 $0xFFFFFFFF  }
0xb6: {  	_ =	strace $0x9000004E  }
0xb7: {  	_ =	sfence  }
0xb8: {  	s30 =	sld [smem:$0x0];
	_ =	sdelay $0x2  }
0xb9: {  	s31 =	sshll.u32 s1, $0xD;
	s1 =	sshrl.u32 s1, $0x2  }
0xba: {  	s3 =	sand.u32 $0x4000, s31;
	s1 =	sadd.s32 s1, s30  }
0xbb: {  	s0 =	sor.u32 s3, s0;
	s1 =	sshll.u32 s1, $0x11  }
0xbc: {  	s0 =	sor.u32 s1, s0  }
0xbd: {  	s0 =	sadd.s32 $0x8F2B, s0  }
0xbe: {  	[sflag:s0] =	ssyncadd.remote.s32 $0x1  }
0xbf: {  	_ =	sfence.sel $0xFFFF  }
0xc0: {  	[dreg:$0x0] =	wrdreg $0xFFFFFFFF;
	(pc) =	sbr.abs _section_cstart, $3  }
0xc1: {  	[dreg:$0x1] =	wrdreg $0xFFFFFFFF  }
0xc2: {  	_ =	task.clear_ibuf [dreg:s7], $0x2FFFF;
	_ =	strace $0x9FFFFFFF  }
0xc3: {  	(tm) =	ssettm $0x7FFFFFFF  }
tec
execute0_lowered:
.L_overlay_start_1:
0x0: {  	(tag) =	ssettag $0x1  }
0x1: {  	s0 =	srdreg.scid;
	s1 =	rddreg [dreg:$0x0]  }
0x2: {  	s11 =	stileid.u32;
	s5 =	rddreg [dreg:$0x1];
	s28 =	simm.s32 $0x5140  }
0x3: {  	s29 =	simm.s32 $0xA;
	s30 =	simm.s32 $0x9;
	s31 =	simm.s32 $0x28A0  }
0x4: {  	s13 =	simm.s32 $0x6;
	s0 =	sand.u32 $0x1, s0;
	s8 =	smul.u32 $0x6400, s11  }
0x5: {  	s2 =	sshll.u32 s11, $0x1;
	s4 =	sadd.s32 $0x11600, s1;
	s11 =	smul.u32 $0x19000, s11  }
0x6: {  	s12 =	sadd.s32 $0x2000, s1;
	s3 =	sor.u32 s0, s2;
	s7 =	smul.u32 $0x64000, s0  }
0x7: {  	s2 =	rddreg [dreg:$0x2];
	s0 =	ssub.s32 $0x2, s0;
	s6 =	smul.u32 $0x514, s3  }
0x8: {  	s3 =	simm.s32 $0x0;
	s10 =	sshrl.u32 s0, $0x1;
	s15 =	sshrl.u32 s11, $0x2  }
0x9: {  	s16 =	sadd.s32 s8, s2;
	s11 =	simm.s32 $0x5;
	[smem:$0x7FF] =	sst s3  }
0xa: {  	s7 =	sadd.s32 s8, s7;
	s0 =	ssub.s32 s0, s10;
	_ =	strace $0x8000004D  }
0xb: {  	s9 =	sadd.s32 s6, s1;
	[dreg:$0x4] =	wrdreg s12;
	s5 =	sadd.s32 s5, s6  }
0xc: {  	s7 =	sshrl.u32 s7, $0x3;
	s0 =	smax.u32 s0, $0x1;
	[dreg:$0x6] =	wrdreg s5  }
0xd: {  	s1 =	sadd.s32 s7, s1;
	s14 =	sadd.s32 $0x7200, s9;
	[dreg:$0x8] =	wrdreg s0  }
0xe: {  	s9 =	sadd.s32 s15, s2;
	[dreg:$0x5] =	wrdreg s14;
	s1 =	sadd.s32 $0x1DE00, s1  }
0xf: {  	s8 =	simm.s32 $0x8020;
	s17 =	sadd.s32 $0x640, s9;
	[dreg:$0x7] =	wrdreg s1  }
0x10: {  	s10 =	simm.s32 $0x3;
	s18 =	sadd.s32 $0xC80, s9;
	[dreg:$0x9] =	wrdreg s17  }
0x11: {  	s6 =	simm.s32 $0x7080;
	s19 =	sadd.s32 $0x12C0, s9;
	[dreg:$0xa] =	wrdreg s18  }
0x12: {  	s12 =	simm.s32 $0x4;
	s20 =	sadd.s32 $0x1900, s9;
	[dreg:$0xb] =	wrdreg s19  }
0x13: {  	s0 =	simm.s32 $0x60E0;
	s21 =	sadd.s32 $0x1F40, s9;
	[dreg:$0xc] =	wrdreg s20  }
0x14: {  	s5 =	simm.s32 $0x1;
	s22 =	sadd.s32 $0x2580, s9;
	[dreg:$0xd] =	wrdreg s21  }
0x15: {  	s7 =	simm.s32 $0x2;
	s23 =	sadd.s32 $0x2BC0, s9;
	[dreg:$0xe] =	wrdreg s22  }
0x16: {  	s15 =	simm.s32 $0x8;
	s24 =	sadd.s32 $0x3200, s9;
	[dreg:$0xf] =	wrdreg s23  }
.Ltmp0:
0x17: {  	s25 =	sadd.s32 $0x3840, s9;
	[dreg:$0x10] =	wrdreg s24;
	(pc) =	sbr.rel .LBB2_1-.Ltmp0, $4  }
0x18: {  	s26 =	sadd.s32 $0x3E80, s9;
	s14 =	simm.s32 $0x7;
	[dreg:$0x11] =	wrdreg s25  }
0x19: {  	[dreg:$0x12] =	wrdreg s26;
	s21 =	sadd.s32 $0x44C0, s9;
	s22 =	sadd.s32 $0x4B00, s9  }
0x1a: {  	s23 =	sadd.s32 $0x5140, s9;
	s24 =	sadd.s32 $0x5780, s9;
	s25 =	sshrl.u32 s16, $0x3  }
0x1b: {  	s26 =	sadd.s32 $0x5DC0, s9;
	s1 =	simm.s32 $0x64;
	s16 =	simm.s32 $0x0  }
.LBB2_4:
0x1c: {  	_ =	swait.ge [sflag:s12], $0xFA0  }
0x1d: {  	[sflag:s12] =	ssyncset.done $0x0  }
0x1e: {  	[sflag:s12] =	ssyncadd.s32 $0xFFFFF060  }
0x1f: {  	[spmem:s2] =	stream.indirect.scatter.add.f32 [tilespmem:s8], [sflag:$0x8], $0x28, s19, s1, $0xb8;
	[tilespmem:$0xF3C0] =	vst v63  }
0x20: {  	_ =	swait.ge [sflag:s11], $0xFA0  }
0x21: {  	[sflag:s11] =	ssyncset.done $0x0  }
0x22: {  	[sflag:s11] =	ssyncadd.s32 $0xFFFFF060  }
0x23: {  	_ =	swait.ge [sflag:s13], $0xFA0  }
0x24: {  	[sflag:s13] =	ssyncset.done $0x0  }
0x25: {  	[sflag:s13] =	ssyncadd.s32 $0xFFFFF060  }
0x26: {  	_ =	swait.ge [sflag:s14], $0xFA0  }
0x27: {  	[sflag:s14] =	ssyncset.done $0x0  }
0x28: {  	[sflag:s14] =	ssyncadd.s32 $0xFFFFF060  }
0x29: {  	_ =	swait.ge [sflag:s15], $0xFA0  }
0x2a: {  	[sflag:s15] =	ssyncset.done $0x0  }
0x2b: {  	s17 =	stileid.u32;
	[sflag:s15] =	ssyncadd.s32 $0xFFFFF060  }
0x2c: {  	s17 =	sshll.u32 s17, $0x6;
	[bflag:$0x0] =	sbarrier.arrive $0xFFFF  }
0x2d: {  	s17 =	sor.u32 $0x1C0A, s17;
	s18 =	rddreg [dreg:$0x7]  }
0x2e: {  	[hbm:s18], [sflag:s17] =	dma.local [spmem:s25], $0xC80  }
0x2f: {  	_ =	swait.ge [sflag:s29], $0xC80  }
0x30: {  	s16 =	sadd.s32 $0x1, s16;
	s20 =	rddreg [dreg:$0x8]  }
0x31: {  	p0 =	sne.s32 s16, s20  }
.Ltmp1:
0x32: {  	_ = 	snop;
	(pc) =	sbr.rel @!p0 .LBB2_5-.Ltmp1, $3  }
0x33: {  	_ =	sdelay $0x1  }
0x34: {  	[sflag:s29] =	ssyncset.done $0x0  }
0x35: {  	[sflag:s29] =	ssyncadd.s32 $0xFFFFF380  }
.LBB2_1:
0x36: {  	s17 =	rddreg [dreg:$0x5]  }
0x37: {  	[tilespmem:s3], [sflag:$0x9] =	stream.linear.gather [hbm4b:s17+s3], $0x28A0, $0x38;
	[tilespmem:$0xF3C0] =	vst v63  }
0x38: {  	s19 =	rddreg [dreg:$0x4]  }
0x39: {  	[tilespmem:s28], [sflag:$0xA] =	stream.linear.gather [hbm4b:s19+s3], $0x640, $0x38;
	[tilespmem:$0xF3C0] =	vst v63  }
0x3a: {  	_ =	swait.ge [sflag:s29], $0x640  }
0x3b: {  	[sflag:s29] =	ssyncset.done $0x0  }
0x3c: {  	[sflag:s29] =	ssyncadd.s32 $0xFFFFF9C0  }
0x3d: {  	[spmem:s9] =	stream.linear.scatter [tilespmem:s28], [sflag:$0xA], $0x640, $0x38;
	[tilespmem:$0xF3C0] =	vst v63  }
0x3e: {  	_ =	swait.ge [sflag:s29], $0x640  }
0x3f: {  	[sflag:s29] =	ssyncset.done $0x0  }
0x40: {  	s20 =	rddreg [dreg:$0x9];
	[sflag:s29] =	ssyncadd.s32 $0xFFFFF9C0  }
0x41: {  	[spmem:s20] =	stream.linear.scatter [tilespmem:s28], [sflag:$0xA], $0x640, $0x38;
	[tilespmem:$0xF3C0] =	vst v63  }
0x42: {  	_ =	swait.ge [sflag:s29], $0x640  }
0x43: {  	[sflag:s29] =	ssyncset.done $0x0  }
0x44: {  	s18 =	rddreg [dreg:$0xa];
	[sflag:s29] =	ssyncadd.s32 $0xFFFFF9C0  }
0x45: {  	[spmem:s18] =	stream.linear.scatter [tilespmem:s28], [sflag:$0xA], $0x640, $0x38;
	[tilespmem:$0xF3C0] =	vst v63  }
0x46: {  	_ =	swait.ge [sflag:s29], $0x640  }
0x47: {  	[sflag:s29] =	ssyncset.done $0x0  }
0x48: {  	s19 =	rddreg [dreg:$0xb];
	[sflag:s29] =	ssyncadd.s32 $0xFFFFF9C0  }
0x49: {  	[spmem:s19] =	stream.linear.scatter [tilespmem:s28], [sflag:$0xA], $0x640, $0x38;
	[tilespmem:$0xF3C0] =	vst v63  }
0x4a: {  	_ =	swait.ge [sflag:s29], $0x640  }
0x4b: {  	[sflag:s29] =	ssyncset.done $0x0  }
0x4c: {  	s20 =	rddreg [dreg:$0xc];
	[sflag:s29] =	ssyncadd.s32 $0xFFFFF9C0  }
0x4d: {  	[spmem:s20] =	stream.linear.scatter [tilespmem:s28], [sflag:$0xA], $0x640, $0x38;
	[tilespmem:$0xF3C0] =	vst v63  }
0x4e: {  	_ =	swait.ge [sflag:s29], $0x640  }
0x4f: {  	[sflag:s29] =	ssyncset.done $0x0  }
0x50: {  	s18 =	rddreg [dreg:$0xd];
	[sflag:s29] =	ssyncadd.s32 $0xFFFFF9C0  }
0x51: {  	[spmem:s18] =	stream.linear.scatter [tilespmem:s28], [sflag:$0xA], $0x640, $0x38;
	[tilespmem:$0xF3C0] =	vst v63  }
0x52: {  	_ =	swait.ge [sflag:s29], $0x640  }
0x53: {  	[sflag:s29] =	ssyncset.done $0x0  }
0x54: {  	s19 =	rddreg [dreg:$0xe];
	[sflag:s29] =	ssyncadd.s32 $0xFFFFF9C0  }
0x55: {  	[spmem:s19] =	stream.linear.scatter [tilespmem:s28], [sflag:$0xA], $0x640, $0x38;
	[tilespmem:$0xF3C0] =	vst v63  }
0x56: {  	_ =	swait.ge [sflag:s29], $0x640  }
0x57: {  	[sflag:s29] =	ssyncset.done $0x0  }
0x58: {  	s20 =	rddreg [dreg:$0xf];
	[sflag:s29] =	ssyncadd.s32 $0xFFFFF9C0  }
0x59: {  	[spmem:s20] =	stream.linear.scatter [tilespmem:s28], [sflag:$0xA], $0x640, $0x38;
	[tilespmem:$0xF3C0] =	vst v63  }
0x5a: {  	_ =	swait.ge [sflag:s29], $0x640  }
0x5b: {  	[sflag:s29] =	ssyncset.done $0x0  }
0x5c: {  	s18 =	rddreg [dreg:$0x10];
	[sflag:s29] =	ssyncadd.s32 $0xFFFFF9C0  }
0x5d: {  	[spmem:s18] =	stream.linear.scatter [tilespmem:s28], [sflag:$0xA], $0x640, $0x38;
	[tilespmem:$0xF3C0] =	vst v63  }
0x5e: {  	_ =	swait.ge [sflag:s29], $0x640  }
0x5f: {  	[sflag:s29] =	ssyncset.done $0x0  }
0x60: {  	s19 =	rddreg [dreg:$0x11];
	[sflag:s29] =	ssyncadd.s32 $0xFFFFF9C0  }
0x61: {  	[spmem:s19] =	stream.linear.scatter [tilespmem:s28], [sflag:$0xA], $0x640, $0x38;
	[tilespmem:$0xF3C0] =	vst v63  }
0x62: {  	_ =	swait.ge [sflag:s29], $0x640  }
0x63: {  	[sflag:s29] =	ssyncset.done $0x0  }
0x64: {  	s20 =	rddreg [dreg:$0x12];
	[sflag:s29] =	ssyncadd.s32 $0xFFFFF9C0  }
0x65: {  	[spmem:s20] =	stream.linear.scatter [tilespmem:s28], [sflag:$0xA], $0x640, $0x38;
	[tilespmem:$0xF3C0] =	vst v63  }
0x66: {  	_ =	swait.ge [sflag:s29], $0x640  }
0x67: {  	[sflag:s29] =	ssyncset.done $0x0  }
0x68: {  	[sflag:s29] =	ssyncadd.s32 $0xFFFFF9C0  }
0x69: {  	[spmem:s21] =	stream.linear.scatter [tilespmem:s28], [sflag:$0xA], $0x640, $0x38;
	[tilespmem:$0xF3C0] =	vst v63  }
0x6a: {  	_ =	swait.ge [sflag:s29], $0x640  }
0x6b: {  	[sflag:s29] =	ssyncset.done $0x0  }
0x6c: {  	[sflag:s29] =	ssyncadd.s32 $0xFFFFF9C0  }
0x6d: {  	[spmem:s22] =	stream.linear.scatter [tilespmem:s28], [sflag:$0xA], $0x640, $0x38;
	[tilespmem:$0xF3C0] =	vst v63  }
0x6e: {  	_ =	swait.ge [sflag:s29], $0x640  }
0x6f: {  	[sflag:s29] =	ssyncset.done $0x0  }
0x70: {  	[sflag:s29] =	ssyncadd.s32 $0xFFFFF9C0  }
0x71: {  	[spmem:s23] =	stream.linear.scatter [tilespmem:s28], [sflag:$0xA], $0x640, $0x38;
	[tilespmem:$0xF3C0] =	vst v63  }
0x72: {  	_ =	swait.ge [sflag:s29], $0x640  }
0x73: {  	[sflag:s29] =	ssyncset.done $0x0  }
0x74: {  	[sflag:s29] =	ssyncadd.s32 $0xFFFFF9C0  }
0x75: {  	[spmem:s24] =	stream.linear.scatter [tilespmem:s28], [sflag:$0xA], $0x640, $0x38;
	[tilespmem:$0xF3C0] =	vst v63  }
0x76: {  	_ =	swait.ge [sflag:s29], $0x640  }
0x77: {  	[sflag:s29] =	ssyncset.done $0x0  }
0x78: {  	[sflag:s29] =	ssyncadd.s32 $0xFFFFF9C0  }
0x79: {  	[spmem:s26] =	stream.linear.scatter [tilespmem:s28], [sflag:$0xA], $0x640, $0x38;
	[tilespmem:$0xF3C0] =	vst v63  }
0x7a: {  	_ =	swait.ge [sflag:s29], $0x640  }
0x7b: {  	[sflag:s29] =	ssyncset.done $0x0  }
0x7c: {  	[sflag:s29] =	ssyncadd.s32 $0xFFFFF9C0  }
0x7d: {  	_ =	swait.ge [sflag:s30], $0x28A0  }
0x7e: {  	[sflag:s30] =	ssyncset.done $0x0  }
0x7f: {  	s18 =	rddreg [dreg:$0x6];
	[sflag:s30] =	ssyncadd.s32 $0xFFFFD760  }
0x80: {  	[tilespmem:s31], [sflag:$0xA] =	stream.linear.gather [hbm4b:s18+s3], $0x28A0, $0x38;
	[tilespmem:$0xF3C0] =	vst v63  }
0x81: {  	_ =	swait.ge [sflag:s29], $0x28A0  }
0x82: {  	[sflag:s29] =	ssyncset.done $0x0  }
0x83: {  	[sflag:s29] =	ssyncadd.s32 $0xFFFFD760  }
0x84: {  	[bflag:$0x0] =	sbarrier.arrive $0xFFFF  }
0x85: {  	[tilespmem:s28], [sflag:$0x1] =	stream.indirect.gather [hbm4b:s4+s1], $0x28, s3, s1, $0xb8;
	[tilespmem:$0xF3C0] =	vst v63  }
0x86: {  	s19 =	simm.s32 $0x68  }
0x87: {  	[tilespmem:s0], [sflag:$0x2] =	stream.indirect.gather [hbm4b:s4+s1], $0x28, s19, s1, $0xb8;
	[tilespmem:$0xF3C0] =	vst v63  }
0x88: {  	_ =	swait.ge [sflag:s5], $0xFA0  }
0x89: {  	[sflag:s5] =	ssyncset.done $0x0  }
0x8a: {  	[sflag:s5] =	ssyncadd.s32 $0xFFFFF060  }
0x8b: {  	[spmem:s2] =	stream.indirect.scatter.add.f32 [tilespmem:s28], [sflag:$0x5], $0x28, s31, s1, $0xb8;
	[tilespmem:$0xF3C0] =	vst v63  }
0x8c: {  	s20 =	simm.s32 $0xD0  }
0x8d: {  	[tilespmem:s6], [sflag:$0x3] =	stream.indirect.gather [hbm4b:s4+s1], $0x28, s20, s1, $0xb8;
	[tilespmem:$0xF3C0] =	vst v63  }
0x8e: {  	_ =	swait.ge [sflag:s7], $0xFA0  }
0x8f: {  	[sflag:s7] =	ssyncset.done $0x0  }
0x90: {  	s18 =	simm.s32 $0x2908;
	[sflag:s7] =	ssyncadd.s32 $0xFFFFF060  }
0x91: {  	[spmem:s2] =	stream.indirect.scatter.add.f32 [tilespmem:s0], [sflag:$0x6], $0x28, s18, s1, $0xb8;
	[tilespmem:$0xF3C0] =	vst v63  }
0x92: {  	s19 =	simm.s32 $0x138  }
0x93: {  	[tilespmem:s8], [sflag:$0x4] =	stream.indirect.gather [hbm4b:s4+s1], $0x28, s19, s1, $0xb8;
	[tilespmem:$0xF3C0] =	vst v63  }
0x94: {  	_ =	swait.ge [sflag:s10], $0xFA0  }
0x95: {  	[sflag:s10] =	ssyncset.done $0x0  }
0x96: {  	s20 =	simm.s32 $0x2970;
	[sflag:s10] =	ssyncadd.s32 $0xFFFFF060  }
0x97: {  	[spmem:s2] =	stream.indirect.scatter.add.f32 [tilespmem:s6], [sflag:$0x7], $0x28, s20, s1, $0xb8;
	[tilespmem:$0xF3C0] =	vst v63  }
0x98: {  	_ =	swait.ge [sflag:s11], $0xFA0  }
0x99: {  	[sflag:s11] =	ssyncset.done $0x0  }
0x9a: {  	s18 =	simm.s32 $0x1A0;
	[sflag:s11] =	ssyncadd.s32 $0xFFFFF060  }
0x9b: {  	[tilespmem:s28], [sflag:$0x1] =	stream.indirect.gather [hbm4b:s4+s1], $0x28, s18, s1, $0xb8;
	[tilespmem:$0xF3C0] =	vst v63  }
0x9c: {  	_ =	swait.ge [sflag:s12], $0xFA0  }
0x9d: {  	[sflag:s12] =	ssyncset.done $0x0  }
0x9e: {  	s19 =	simm.s32 $0x29D8;
	[sflag:s12] =	ssyncadd.s32 $0xFFFFF060  }
0x9f: {  	[spmem:s2] =	stream.indirect.scatter.add.f32 [tilespmem:s8], [sflag:$0x8], $0x28, s19, s1, $0xb8;
	[tilespmem:$0xF3C0] =	vst v63  }
0xa0: {  	_ =	swait.ge [sflag:s13], $0xFA0  }
0xa1: {  	[sflag:s13] =	ssyncset.done $0x0  }
0xa2: {  	s17 =	simm.s32 $0x0;
	s20 =	simm.s32 $0x208;
	[sflag:s13] =	ssyncadd.s32 $0xFFFFF060  }
0xa3: {  	[tilespmem:s0], [sflag:$0x2] =	stream.indirect.gather [hbm4b:s4+s1], $0x28, s20, s1, $0xb8;
	[tilespmem:$0xF3C0] =	vst v63  }
.LBB2_2:
0xa4: {  	_ =	swait.ge [sflag:s5], $0xFA0  }
0xa5: {  	s18 =	sshra.s32 s17, $0x2;
	[sflag:s5] =	ssyncset.done $0x0  }
0xa6: {  	s19 =	sadd.s32 $0x2A40, s18;
	[sflag:s5] =	ssyncadd.s32 $0xFFFFF060  }
0xa7: {  	[spmem:s2] =	stream.indirect.scatter.add.f32 [tilespmem:s28], [sflag:$0x5], $0x28, s19, s1, $0xb8;
	[tilespmem:$0xF3C0] =	vst v63  }
0xa8: {  	_ =	swait.ge [sflag:s14], $0xFA0  }
0xa9: {  	[sflag:s14] =	ssyncset.done $0x0  }
0xaa: {  	s20 =	sadd.s32 $0x270, s18;
	[sflag:s14] =	ssyncadd.s32 $0xFFFFF060  }
0xab: {  	[tilespmem:s6], [sflag:$0x3] =	stream.indirect.gather [hbm4b:s4+s1], $0x28, s20, s1, $0xb8;
	[tilespmem:$0xF3C0] =	vst v63  }
0xac: {  	_ =	swait.ge [sflag:s7], $0xFA0  }
0xad: {  	[sflag:s7] =	ssyncset.done $0x0  }
0xae: {  	s20 =	sadd.s32 $0x2AA8, s18;
	[sflag:s7] =	ssyncadd.s32 $0xFFFFF060  }
0xaf: {  	[spmem:s2] =	stream.indirect.scatter.add.f32 [tilespmem:s0], [sflag:$0x6], $0x28, s20, s1, $0xb8;
	[tilespmem:$0xF3C0] =	vst v63  }
0xb0: {  	_ =	swait.ge [sflag:s15], $0xFA0  }
0xb1: {  	[sflag:s15] =	ssyncset.done $0x0  }
0xb2: {  	p0 =	seq.s32 s17, $0x9580;
	s20 =	sadd.s32 $0x2D8, s18;
	[sflag:s15] =	ssyncadd.s32 $0xFFFFF060  }
0xb3: {  	[tilespmem:s8], [sflag:$0x4] =	stream.indirect.gather [hbm4b:s4+s1], $0x28, s20, s1, $0xb8;
	[tilespmem:$0xF3C0] =	vst v63  }
.Ltmp2:
0xb4: {  	_ = 	snop;
	(pc) =	sbr.rel @p0 .LBB2_4-.Ltmp2, $4  }
0xb5: {  	_ =	swait.ge [sflag:s10], $0xFA0  }
0xb6: {  	[sflag:s10] =	ssyncset.done $0x0  }
0xb7: {  	s19 =	sadd.s32 $0x2B78, s18;
	s20 =	sadd.s32 $0x2B10, s18;
	[sflag:s10] =	ssyncadd.s32 $0xFFFFF060  }
0xb8: {  	[spmem:s2] =	stream.indirect.scatter.add.f32 [tilespmem:s6], [sflag:$0x7], $0x28, s20, s1, $0xb8;
	[tilespmem:$0xF3C0] =	vst v63  }
0xb9: {  	_ =	swait.ge [sflag:s11], $0xFA0  }
0xba: {  	[sflag:s11] =	ssyncset.done $0x0  }
0xbb: {  	s20 =	sadd.s32 $0x340, s18;
	[sflag:s11] =	ssyncadd.s32 $0xFFFFF060  }
0xbc: {  	[tilespmem:s28], [sflag:$0x1] =	stream.indirect.gather [hbm4b:s4+s1], $0x28, s20, s1, $0xb8;
	[tilespmem:$0xF3C0] =	vst v63  }
0xbd: {  	_ =	swait.ge [sflag:s12], $0xFA0  }
0xbe: {  	[sflag:s12] =	ssyncset.done $0x0  }
0xbf: {  	[sflag:s12] =	ssyncadd.s32 $0xFFFFF060  }
0xc0: {  	[spmem:s2] =	stream.indirect.scatter.add.f32 [tilespmem:s8], [sflag:$0x8], $0x28, s19, s1, $0xb8;
	[tilespmem:$0xF3C0] =	vst v63  }
.Ltmp3:
0xc1: {  	_ = 	snop;
	(pc) =	sbr.rel .LBB2_2-.Ltmp3, $4  }
0xc2: {  	_ =	swait.ge [sflag:s13], $0xFA0  }
0xc3: {  	[sflag:s13] =	ssyncset.done $0x0  }
0xc4: {  	s17 =	sadd.s32 $0x680, s17;
	s20 =	sadd.s32 $0x3A8, s18;
	[sflag:s13] =	ssyncadd.s32 $0xFFFFF060  }
0xc5: {  	[tilespmem:s0], [sflag:$0x2] =	stream.indirect.gather [hbm4b:s4+s1], $0x28, s20, s1, $0xb8;
	[tilespmem:$0xF3C0] =	vst v63  }
.LBB2_5:
0xc6: {  	_ =	sfence.sel $0x180000  }
0xc7: {  	[bflag:$0x0] =	sbarrier.arrive $0xFFFF  }
0xc8: {  	_ =	strace $0x9000004D  }
0xc9: {  	s0 =	stileid.u32;
	[bflag:$0x2] =	sbarrier.arrive $0xFFFF  }
0xca: {  	p0 =	sne.s32 s0, $0x0;
	s0 =	rddreg [dreg:$0x3]  }
0xcb: {  	s0 =	sadd.s32 @!p0 $0x100000, s0  }
0xcc: {  	[sflag:s0] =	ssyncadd.tile.s32 @!p0 $0x1;
	_ =	shalt  }
.Lfunc_end2:
_tile_overlayer_lowered:
.L_overlay_start_2:
0xcd: {  	(tag) =	ssettag $0x2  }
0xce: {  	s0 =	rddreg [dreg:$0x0];
	s2 =	stileid.u32  }
0xcf: {  	s1 =	rddreg [dreg:$0x1];
	p0 =	sne.s32 s2, $0x0  }
0xd0: {  	s3 =	rddreg [dreg:$0x2];
	[bflag:$0x3] =	sbarrier.arrive $0xFFFF;
	s2 =	simm.s32 @!p0 $0x1C0A  }
0xd1: {  	[timem:s3], [sflag:s2] =	dma.local @!p0 [hbm:s0], s1  }
0xd2: {  	s0 =	simm.s32 @!p0 $0xA  }
0xd3: {  	_ =	swait.ge @!p0 [sflag:s0], s1  }
0xd4: {  	s1 =	ssub.s32 @!p0 $0x0, s1;
	[sflag:s0] =	ssyncset.done @!p0 $0x0  }
0xd5: {  	[sflag:s0] =	ssyncadd.s32 @!p0 s1  }
0xd6: {  	[bflag:$0x3] =	sbarrier.arrive $0xFFFF  }
0xd7: {  	_ =	shalt  }

// kernel: kernel.8.cloned.1.call-start
scs
__scs_entry_jumppad:
0x0: {  	(pc) =	sbr.rel $0x88, $3  }
0x1: {  	(tag) =	ssettag $0x0;
	lr =	simm.s32 $0x1  }
0x2: {  	[smem:$0x3F9B] =	sst lr;
	_ =	strace $0xD0000000  }
0x3: {  	_ = 	snop  }
0x4: {  	_ = 	snop  }
0x5: {  	_ = 	snop  }
0x6: {  	_ = 	snop  }
0x7: {  	_ = 	snop  }
__scs_overlays_trampoline_lowered:
0x8: {  	[smem:$0x3FAA] =	sst s0  }
0x9: {  	[smem:$0x3FAB] =	sst s1  }
0xa: {  	[smem:$0x3FAC] =	sst s2  }
0xb: {  	[smem:$0x3FAD] =	sst s3  }
0xc: {  	[smem:$0x3FAE] =	sst s4  }
0xd: {  	[smem:$0x3FAF] =	sst s5  }
0xe: {  	[smem:$0x3FB0] =	sst s6  }
0xf: {  	[smem:$0x3FB1] =	sst s7  }
0x10: {  	[smem:$0x3FB2] =	sst s8  }
0x11: {  	[smem:$0x3FB3] =	sst s9;
	s0 =	simm.s32 @!p0 $0x0  }
0x12: {  	s1 =	sld [smem:$0x3F99];
	s0 =	simm.s32 @p0 $0x1  }
0x13: {  	[smem:$0x3FB4] =	sst s0;
	s0 =	simm.s32 @!p1 $0x0  }
0x14: {  	s2 =	sld [smem:$0x3F98];
	s0 =	simm.s32 @p1 $0x1  }
0x15: {  	[smem:$0x3FB5] =	sst s0;
	s0 =	simm.s32 @!p2 $0x0  }
0x16: {  	s3 =	sld [smem:$0x3FDB];
	s0 =	simm.s32 @p2 $0x1  }
0x17: {  	s4 =	simm.s32 $0x1BF5;
	[smem:$0x3FB7] =	sst s0  }
0x18: {  	s0 =	sld [smem:$0x3F9A];
	_ =	swait.ge [sflag:s4], $0x0  }
0x19: {  	s7 =	sld [smem:$0x3F9B]  }
0x1a: {  	s8 =	sadd.s32 $0xFFFFE003, lr  }
0x1b: {  	s9 =	sadd.s32 $0xFFFFFEF7, lr;
	s5 =	simm.s32 $0xFFFFFFFF;
	p2 =	slt.u32 s8, $0xFFFFF086  }
0x1c: {  	p1 =	slt.u32 s9, $0xF7A;
	s5 =	simm.s32 @!p2 $0x0  }
0x1d: {  	s5 =	simm.s32 @p1 $0x1;
	p0 =	seq.s32 s7, s2  }
0x1e: {  	s7 =	smul.u32 @!p0 $0xF7A, s2;
	p2 =	seq.s32 @!p0 s5, $0x0  }
0x1f: {  	s9 =	smul.u32 $0xF7A, s1;
	s8 =	simm.s32 @!p0 $0x1BF5;
	p2 =	por !p2, p0  }
0x20: {  	[sflag:s8] =	ssyncset.s32 @!p0 $0xFFFFF086;
	s6 =	sadd.s32 @!p0 s3, s7;
	s7 =	simm.s32 @!p0 $0x108  }
0x21: {  	s3 =	sadd.s32 s3, s9;
	s6 =	sadd.s32 @!p0 $0x88, s6;
	s7 =	simm.s32 @p2 $0x1082  }
0x22: {  	[simem:s7], [sflag:s8] =	dma.local @!p0 [hbm:s6], $0xF7A  }
0x23: {  	s9 =	sor.u32 $0xD0000000, s2;
	s6 =	simm.s32 $0x108;
	_ =	swait.ge @!p0 [sflag:s8], $0x0  }
0x24: {  	s3 =	sadd.s32 $0x88, s3;
	s6 =	simm.s32 @!p1 $0x1082;
	[sflag:s4] =	ssyncset.s32 $0xFFFFF086  }
0x25: {  	[simem:s6], [sflag:s4] =	dma.local [hbm:s3], $0xF7A  }
0x26: {  	[smem:$0x3F9B] =	sst s1;
	(tag) =	ssettag s2;
	_ =	strace s9  }
0x27: {  	s1 =	sld [smem:$0x3FAB]  }
0x28: {  	s2 =	sld [smem:$0x3FAC]  }
0x29: {  	s4 =	sld [smem:$0x3FAE]  }
0x2a: {  	p0 =	seq.s32 s5, $0x0;
	s5 =	sld [smem:$0x3FAF]  }
0x2b: {  	s6 =	sld [smem:$0x3FB0]  }
0x2c: {  	s7 =	sld [smem:$0x3FB1]  }
0x2d: {  	s3 =	simm.s32 $0x108;
	s8 =	sld [smem:$0x3FB2]  }
0x2e: {  	s3 =	simm.s32 @!p0 $0x1082;
	s9 =	sld [smem:$0x3FB3]  }
0x2f: {  	lr =	sadd.s32 s0, s3;
	s0 =	sld [smem:$0x3FAA]  }
0x30: {  	s3 =	sld [smem:$0x3FAD]  }
0x31: {  	[smem:$0x3FB6] =	sst s10  }
0x32: {  	s10 =	sld [smem:$0x3FB4];
	_ =	sdelay $0x3  }
0x33: {  	p0 =	seq.s32 s10, $0x1;
	s10 =	sld [smem:$0x3FB6];
	_ =	sdelay $0x3  }
0x34: {  	[smem:$0x3FB6] =	sst s10  }
0x35: {  	s10 =	sld [smem:$0x3FB5];
	_ =	sdelay $0x3  }
0x36: {  	p1 =	seq.s32 s10, $0x1;
	s10 =	sld [smem:$0x3FB6];
	_ =	sdelay $0x3  }
0x37: {  	[smem:$0x3FB6] =	sst s10  }
0x38: {  	s10 =	sld [smem:$0x3FB7]  }
0x39: {  	_ = 	snop;
	(pc) =	sbr.ind lr, $3  }
0x3a: {  	_ = 	snop  }
0x3b: {  	_ = 	snop  }
0x3c: {  	p2 =	seq.s32 s10, $0x1;
	s10 =	sld [smem:$0x3FB6]  }
0x3d: {  	_ =	shalt  }
0x3e: {  	_ =	shalt  }
0x3f: {  	_ =	shalt  }
0x40: {  	_ =	shalt  }
0x41: {  	_ =	shalt  }
0x42: {  	_ =	shalt  }
0x43: {  	_ =	shalt  }
0x44: {  	_ =	shalt  }
0x45: {  	_ =	shalt  }
0x46: {  	_ =	shalt  }
0x47: {  	_ =	shalt  }
0x48: {  	_ =	shalt  }
0x49: {  	_ =	shalt  }
0x4a: {  	_ =	shalt  }
0x4b: {  	_ =	shalt  }
0x4c: {  	_ =	shalt  }
0x4d: {  	_ =	shalt  }
0x4e: {  	_ =	shalt  }
0x4f: {  	_ =	shalt  }
0x50: {  	_ =	shalt  }
0x51: {  	_ =	shalt  }
0x52: {  	_ =	shalt  }
0x53: {  	_ =	shalt  }
0x54: {  	_ =	shalt  }
0x55: {  	_ =	shalt  }
0x56: {  	_ =	shalt  }
0x57: {  	_ =	shalt  }
0x58: {  	_ =	shalt  }
0x59: {  	_ =	shalt  }
0x5a: {  	_ =	shalt  }
0x5b: {  	_ =	shalt  }
0x5c: {  	_ =	shalt  }
0x5d: {  	_ =	shalt  }
0x5e: {  	_ =	shalt  }
0x5f: {  	_ =	shalt  }
0x60: {  	_ =	shalt  }
0x61: {  	_ =	shalt  }
0x62: {  	_ =	shalt  }
0x63: {  	_ =	shalt  }
0x64: {  	_ =	shalt  }
0x65: {  	_ =	shalt  }
0x66: {  	_ =	shalt  }
0x67: {  	_ =	shalt  }
0x68: {  	_ =	shalt  }
0x69: {  	_ =	shalt  }
0x6a: {  	_ =	shalt  }
0x6b: {  	_ =	shalt  }
0x6c: {  	_ =	shalt  }
0x6d: {  	_ =	shalt  }
0x6e: {  	_ =	shalt  }
0x6f: {  	_ =	shalt  }
0x70: {  	_ =	shalt  }
0x71: {  	_ =	shalt  }
0x72: {  	_ =	shalt  }
0x73: {  	_ =	shalt  }
0x74: {  	_ =	shalt  }
0x75: {  	_ =	shalt  }
0x76: {  	_ =	shalt  }
0x77: {  	_ =	shalt  }
0x78: {  	_ =	shalt  }
0x79: {  	_ =	shalt  }
0x7a: {  	_ =	shalt  }
0x7b: {  	_ =	shalt  }
0x7c: {  	_ =	shalt  }
0x7d: {  	_ =	shalt  }
0x7e: {  	_ =	shalt  }
0x7f: {  	_ =	shalt  }
0x80: {  	_ =	shalt  }
0x81: {  	_ =	shalt  }
0x82: {  	_ =	shalt  }
0x83: {  	_ =	shalt  }
0x84: {  	_ =	shalt  }
0x85: {  	_ =	shalt  }
0x86: {  	_ =	shalt  }
0x87: {  	_ =	shalt  }
.Lfunc_end0:
.L_simem_size_0:
called_computation_lowered:
.L_overlay_start_0:
0x88: {  	s2 =	sld [smem:$0x3FD9]  }
0x89: {  	s3 =	sld [smem:$0x3FFE];
	_ =	sdelay $0x1  }
0x8a: {  	s1 =	srdreg.scid  }
0x8b: {  	s0 =	sand.u32 $0x1, s1  }
0x8c: {  	s17 =	sshll.u32 s0, $0xA;
	s2 =	sadd.s32 s3, s2  }
0x8d: {  	s2 =	sadd.s32 s2, s17  }
0x8e: {  	[smem:$0x3FC2] =	sst s2  }
0x8f: {  	_ = 	snop  }
0x90: {  	s2 =	sld [smem:$0x3FD0];
	(tm) =	ssettm $0x1  }
0x91: {  	s18 =	sld [smem:$0x3FFB];
	_ =	sdelay $0x3  }
0x92: {  	_ =	strace s18  }
0x93: {  	s3 =	sld [smem:$0x3FFC];
	_ =	sdelay $0x3  }
0x94: {  	_ =	strace s3  }
0x95: {  	s3 =	sld [smem:$0x3FFD];
	_ =	sdelay $0x3  }
0x96: {  	_ =	strace s3  }
0x97: {  	_ =	strace $0x8FFFFFFF  }
0x98: {  	s19 =	sld [smem:$0x3FDB];
	_ =	sdelay $0x1  }
0x99: {  	s4 =	simm.s32 $_scs_section_size  }
0x9a: {  	s5 =	simm.s32 $_size__tile_overlayer_lowered;
	s6 =	simm.s32 $_tile_overlayer_lowered  }
0x9b: {  	s22 =	simm.s32 $0x1BFF;
	s21 =	sshll.u32 s6, $0x1;
	s3 =	sadd.s32 s4, s19  }
0x9c: {  	s7 =	simm.s32 $0x0;
	s20 =	sshll.u32 s5, $0x1;
	s5 =	sadd.s32 s21, s3  }
0x9d: {  	[timem:s7], [sflag:s22] =	dma.local [hbm:s5], s20  }
0x9e: {  	_ =	swait.ge [sflag:s22], s20  }
0x9f: {  	s4 =	ssub.s32 $0x0, s20;
	[sflag:s22] =	ssyncset.done $0x0  }
0xa0: {  	[sflag:s22] =	ssyncadd.s32 s4;
	_ =	sdelay $0x1  }
0xa1: {  	s23 =	simm.s32 $0x1B8B  }
0xa2: {  	_ =	swait.ge [sflag:s23], $0x1  }
0xa3: {  	[sflag:s23] =	ssyncset.done $0x0  }
0xa4: {  	s25 =	simm.s32 $0x1B8E;
	s24 =	sld [smem:$0x3FFE];
	[sflag:s23] =	ssyncadd.s32 $0xFFFFFFFF  }
0xa5: {  	s26 =	simm.s32 $execute0_lowered;
	[smem:$0x3FD2] =	sst s25  }
0xa6: {  	s5 =	sshll.u32 s26, $0x1;
	_ =	strace $0x80000046;
	[dreg:$0x1] =	wrdreg $0xFFFFFFFF  }
0xa7: {  	s28 =	simm.s32 $_size_execute0_lowered;
	s3 =	sadd.s32 s3, s5;
	[dreg:$0x0] =	wrdreg $0x0  }
0xa8: {  	s5 =	sshll.u32 s28, $0x1;
	[dreg:$0x2] =	wrdreg s3  }
0xa9: {  	[dreg:$0x3] =	wrdreg s5  }
0xaa: {  	[dreg:$0x4] =	wrdreg $0xC0  }
0xab: {  	_ =	task [dreg:s7], $0x5FFFF  }
0xac: {  	[dreg:$0x1] =	wrdreg $0xFFFFFFFF  }
0xad: {  	[dreg:$0x0] =	wrdreg $0x60  }
0xae: {  	[dreg:$0x2] =	wrdreg s2  }
0xaf: {  	[dreg:$0x3] =	wrdreg s24  }
0xb0: {  	[dreg:$0x4] =	wrdreg $0x2BC00  }
0xb1: {  	[dreg:$0x5] =	wrdreg $0x9  }
0xb2: {  	_ =	task.clear_ibuf [dreg:s7], $0x6FFFF;
	_ =	strace $0x90000046  }
0xb3: {  	s29 =	simm.s32 $0x9;
	_ =	strace $0x80000048  }
0xb4: {  	_ =	swait.ge [sflag:s29], $0x1  }
0xb5: {  	[sflag:s29] =	ssyncadd.s32 $0xFFFFFFFF  }
0xb6: {  	_ =	strace $0x90000048  }
0xb7: {  	_ =	sfence  }
0xb8: {  	s30 =	sld [smem:$0x0];
	_ =	sdelay $0x2  }
0xb9: {  	s31 =	sshll.u32 s1, $0xD;
	s1 =	sshrl.u32 s1, $0x2  }
0xba: {  	s3 =	sand.u32 $0x4000, s31;
	s1 =	sadd.s32 s1, s30  }
0xbb: {  	s0 =	sor.u32 s3, s0;
	s1 =	sshll.u32 s1, $0x11  }
0xbc: {  	s0 =	sor.u32 s1, s0  }
0xbd: {  	s0 =	sadd.s32 $0x8F2B, s0  }
0xbe: {  	[sflag:s0] =	ssyncadd.remote.s32 $0x1  }
0xbf: {  	_ =	sfence.sel $0xFFFF  }
0xc0: {  	[dreg:$0x0] =	wrdreg $0xFFFFFFFF;
	(pc) =	sbr.abs _section_cstart, $3  }
0xc1: {  	[dreg:$0x1] =	wrdreg $0xFFFFFFFF  }
0xc2: {  	_ =	task.clear_ibuf [dreg:s7], $0x2FFFF;
	_ =	strace $0x9FFFFFFF  }
0xc3: {  	(tm) =	ssettm $0x7FFFFFFF  }
tec
execute0_lowered:
.L_overlay_start_1:
0x0: {  	(tag) =	ssettag $0x1  }
0x1: {  	s0 =	rddreg [dreg:$0x0]  }
0x2: {  	s1 =	rddreg [dreg:$0x1]  }
0x3: {  	s2 =	rddreg [dreg:$0x2]  }
0x4: {  	s3 =	srdreg.scid;
	s9 =	stileid.u32;
	s28 =	simm.s32 $0x1  }
0x5: {  	s29 =	simm.s32 $0x64;
	s31 =	simm.s32 $0x2;
	s7 =	smul.u32 $0x1400, s9  }
0x6: {  	s4 =	sand.u32 $0x1, s3;
	s6 =	sshll.u32 s9, $0x1;
	s9 =	smul.u32 $0x5000, s9  }
0x7: {  	s3 =	simm.s32 $0x0;
	s24 =	sadd.s32 $0x2000, s1;
	s5 =	smul.u32 $0x14000, s4  }
0x8: {  	[smem:$0x7FF] =	sst s3;
	s6 =	sor.u32 s4, s6;
	s8 =	ssub.s32 $0x2, s4  }
0x9: {  	_ =	strace $0x80000047;
	s6 =	smul.u32 $0x514, s6;
	[dreg:$0x4] =	wrdreg s24  }
0xa: {  	s25 =	sshrl.u32 s8, $0x1;
	s26 =	sshrl.u32 s9, $0x2;
	s30 =	sadd.s32 s7, s2  }
0xb: {  	s24 =	simm.s32 $0x28A0;
	s5 =	sadd.s32 s7, s5;
	s8 =	ssub.s32 s8, s25  }
0xc: {  	s7 =	sadd.s32 s26, s2;
	s25 =	sshrl.u32 s30, $0x3;
	s26 =	simm.s32 $0x3  }
0xd: {  	s5 =	sshrl.u32 s5, $0x3;
	s8 =	smax.u32 s8, $0x1;
	s9 =	sadd.s32 $0x140, s7  }
0xe: {  	s10 =	sadd.s32 $0x280, s7;
	s11 =	sadd.s32 $0x3C0, s7;
	s12 =	sadd.s32 $0x500, s7  }
0xf: {  	s13 =	sadd.s32 $0x640, s7;
	s14 =	sadd.s32 $0x780, s7;
	s15 =	sadd.s32 $0x8C0, s7  }
0x10: {  	s16 =	sadd.s32 $0xA00, s7;
	s17 =	sadd.s32 $0xB40, s7;
	s18 =	sadd.s32 $0xC80, s7  }
0x11: {  	s19 =	sadd.s32 $0xDC0, s7;
	s20 =	sadd.s32 $0xF00, s7;
	s21 =	sadd.s32 $0x1040, s7  }
0x12: {  	s22 =	sadd.s32 $0x1180, s7;
	s23 =	sadd.s32 $0x12C0, s7;
	s1 =	sadd.s32 s5, s1  }
0x13: {  	s5 =	sadd.s32 s0, s6;
	s0 =	simm.s32 $0x0;
	s6 =	sadd.s32 $0x2200, s1  }
.LBB2_1:
0x14: {  	[tilespmem:s3], [sflag:$0x1] =	stream.linear.gather [hbm4b:s5+s3], $0x28A0, $0x38;
	[tilespmem:$0x3FC0] =	vst v63  }
0x15: {  	s1 =	rddreg [dreg:$0x4]  }
0x16: {  	[tilespmem:s24], [sflag:$0x3] =	stream.linear.gather [hbm4b:s1+s3], $0x320, $0x38;
	[tilespmem:$0x3FC0] =	vst v63  }
0x17: {  	_ =	swait.ge [sflag:s26], $0x320  }
0x18: {  	[sflag:s26] =	ssyncset.done $0x0  }
0x19: {  	[sflag:s26] =	ssyncadd.s32 $0xFFFFFCE0  }
0x1a: {  	[spmem:s7] =	stream.linear.scatter [tilespmem:s24], [sflag:$0x3], $0x140, $0x38;
	[tilespmem:$0x3FC0] =	vst v63  }
0x1b: {  	_ =	swait.ge [sflag:s26], $0x140  }
0x1c: {  	[sflag:s26] =	ssyncset.done $0x0  }
0x1d: {  	[sflag:s26] =	ssyncadd.s32 $0xFFFFFEC0  }
0x1e: {  	[spmem:s9] =	stream.linear.scatter [tilespmem:s24], [sflag:$0x3], $0x140, $0x38;
	[tilespmem:$0x3FC0] =	vst v63  }
0x1f: {  	_ =	swait.ge [sflag:s26], $0x140  }
0x20: {  	[sflag:s26] =	ssyncset.done $0x0  }
0x21: {  	[sflag:s26] =	ssyncadd.s32 $0xFFFFFEC0  }
0x22: {  	[spmem:s10] =	stream.linear.scatter [tilespmem:s24], [sflag:$0x3], $0x140, $0x38;
	[tilespmem:$0x3FC0] =	vst v63  }
0x23: {  	_ =	swait.ge [sflag:s26], $0x140  }
0x24: {  	[sflag:s26] =	ssyncset.done $0x0  }
0x25: {  	[sflag:s26] =	ssyncadd.s32 $0xFFFFFEC0  }
0x26: {  	[spmem:s11] =	stream.linear.scatter [tilespmem:s24], [sflag:$0x3], $0x140, $0x38;
	[tilespmem:$0x3FC0] =	vst v63  }
0x27: {  	_ =	swait.ge [sflag:s26], $0x140  }
0x28: {  	[sflag:s26] =	ssyncset.done $0x0  }
0x29: {  	[sflag:s26] =	ssyncadd.s32 $0xFFFFFEC0  }
0x2a: {  	[spmem:s12] =	stream.linear.scatter [tilespmem:s24], [sflag:$0x3], $0x140, $0x38;
	[tilespmem:$0x3FC0] =	vst v63  }
0x2b: {  	_ =	swait.ge [sflag:s26], $0x140  }
0x2c: {  	[sflag:s26] =	ssyncset.done $0x0  }
0x2d: {  	[sflag:s26] =	ssyncadd.s32 $0xFFFFFEC0  }
0x2e: {  	[spmem:s13] =	stream.linear.scatter [tilespmem:s24], [sflag:$0x3], $0x140, $0x38;
	[tilespmem:$0x3FC0] =	vst v63  }
0x2f: {  	_ =	swait.ge [sflag:s26], $0x140  }
0x30: {  	[sflag:s26] =	ssyncset.done $0x0  }
0x31: {  	[sflag:s26] =	ssyncadd.s32 $0xFFFFFEC0  }
0x32: {  	[spmem:s14] =	stream.linear.scatter [tilespmem:s24], [sflag:$0x3], $0x140, $0x38;
	[tilespmem:$0x3FC0] =	vst v63  }
0x33: {  	_ =	swait.ge [sflag:s26], $0x140  }
0x34: {  	[sflag:s26] =	ssyncset.done $0x0  }
0x35: {  	[sflag:s26] =	ssyncadd.s32 $0xFFFFFEC0  }
0x36: {  	[spmem:s15] =	stream.linear.scatter [tilespmem:s24], [sflag:$0x3], $0x140, $0x38;
	[tilespmem:$0x3FC0] =	vst v63  }
0x37: {  	_ =	swait.ge [sflag:s26], $0x140  }
0x38: {  	[sflag:s26] =	ssyncset.done $0x0  }
0x39: {  	[sflag:s26] =	ssyncadd.s32 $0xFFFFFEC0  }
0x3a: {  	[spmem:s16] =	stream.linear.scatter [tilespmem:s24], [sflag:$0x3], $0x140, $0x38;
	[tilespmem:$0x3FC0] =	vst v63  }
0x3b: {  	_ =	swait.ge [sflag:s26], $0x140  }
0x3c: {  	[sflag:s26] =	ssyncset.done $0x0  }
0x3d: {  	[sflag:s26] =	ssyncadd.s32 $0xFFFFFEC0  }
0x3e: {  	[spmem:s17] =	stream.linear.scatter [tilespmem:s24], [sflag:$0x3], $0x140, $0x38;
	[tilespmem:$0x3FC0] =	vst v63  }
0x3f: {  	_ =	swait.ge [sflag:s26], $0x140  }
0x40: {  	[sflag:s26] =	ssyncset.done $0x0  }
0x41: {  	[sflag:s26] =	ssyncadd.s32 $0xFFFFFEC0  }
0x42: {  	[spmem:s18] =	stream.linear.scatter [tilespmem:s24], [sflag:$0x3], $0x140, $0x38;
	[tilespmem:$0x3FC0] =	vst v63  }
0x43: {  	_ =	swait.ge [sflag:s26], $0x140  }
0x44: {  	[sflag:s26] =	ssyncset.done $0x0  }
0x45: {  	[sflag:s26] =	ssyncadd.s32 $0xFFFFFEC0  }
0x46: {  	[spmem:s19] =	stream.linear.scatter [tilespmem:s24], [sflag:$0x3], $0x140, $0x38;
	[tilespmem:$0x3FC0] =	vst v63  }
0x47: {  	_ =	swait.ge [sflag:s26], $0x140  }
0x48: {  	[sflag:s26] =	ssyncset.done $0x0  }
0x49: {  	[sflag:s26] =	ssyncadd.s32 $0xFFFFFEC0  }
0x4a: {  	[spmem:s20] =	stream.linear.scatter [tilespmem:s24], [sflag:$0x3], $0x140, $0x38;
	[tilespmem:$0x3FC0] =	vst v63  }
0x4b: {  	_ =	swait.ge [sflag:s26], $0x140  }
0x4c: {  	[sflag:s26] =	ssyncset.done $0x0  }
0x4d: {  	[sflag:s26] =	ssyncadd.s32 $0xFFFFFEC0  }
0x4e: {  	[spmem:s21] =	stream.linear.scatter [tilespmem:s24], [sflag:$0x3], $0x140, $0x38;
	[tilespmem:$0x3FC0] =	vst v63  }
0x4f: {  	_ =	swait.ge [sflag:s26], $0x140  }
0x50: {  	[sflag:s26] =	ssyncset.done $0x0  }
0x51: {  	[sflag:s26] =	ssyncadd.s32 $0xFFFFFEC0  }
0x52: {  	[spmem:s22] =	stream.linear.scatter [tilespmem:s24], [sflag:$0x3], $0x140, $0x38;
	[tilespmem:$0x3FC0] =	vst v63  }
0x53: {  	_ =	swait.ge [sflag:s26], $0x140  }
0x54: {  	[sflag:s26] =	ssyncset.done $0x0  }
0x55: {  	[sflag:s26] =	ssyncadd.s32 $0xFFFFFEC0  }
0x56: {  	[spmem:s23] =	stream.linear.scatter [tilespmem:s24], [sflag:$0x3], $0x140, $0x38;
	[tilespmem:$0x3FC0] =	vst v63  }
0x57: {  	_ =	swait.ge [sflag:s26], $0x140  }
0x58: {  	[sflag:s26] =	ssyncset.done $0x0  }
0x59: {  	[sflag:s26] =	ssyncadd.s32 $0xFFFFFEC0  }
0x5a: {  	_ =	swait.ge [sflag:s28], $0x28A0  }
0x5b: {  	[sflag:s28] =	ssyncset.done $0x0  }
0x5c: {  	[sflag:s28] =	ssyncadd.s32 $0xFFFFD760  }
0x5d: {  	[bflag:$0x0] =	sbarrier.arrive $0xFFFF  }
0x5e: {  	[spmem:s2] =	stream.indirect.scatter.add.f32 [tilespmem:s24], [sflag:$0x1], $0x8, s3, s29, $0xb8;
	[tilespmem:$0x3FC0] =	vst v63  }
0x5f: {  	s4 =	simm.s32 $0x68  }
0x60: {  	[spmem:s2] =	stream.indirect.scatter.add.f32 [tilespmem:s24], [sflag:$0x2], $0x8, s4, s29, $0xb8;
	[tilespmem:$0x3FC0] =	vst v63  }
0x61: {  	_ =	swait.ge [sflag:s28], $0x320  }
0x62: {  	[sflag:s28] =	ssyncset.done $0x0  }
0x63: {  	s4 =	simm.s32 $0xD0;
	[sflag:s28] =	ssyncadd.s32 $0xFFFFFCE0  }
0x64: {  	[spmem:s2] =	stream.indirect.scatter.add.f32 [tilespmem:s24], [sflag:$0x1], $0x8, s4, s29, $0xb8;
	[tilespmem:$0x3FC0] =	vst v63  }
0x65: {  	_ =	swait.ge [sflag:s31], $0x320  }
0x66: {  	[sflag:s31] =	ssyncset.done $0x0  }
0x67: {  	s30 =	simm.s32 $0x138;
	s1 =	simm.s32 $0xFFFF6400;
	[sflag:s31] =	ssyncadd.s32 $0xFFFFFCE0  }
.LBB2_2:
0x68: {  	[spmem:s2] =	stream.indirect.scatter.add.f32 [tilespmem:s24], [sflag:$0x2], $0x8, s30, s29, $0xb8;
	[tilespmem:$0x3FC0] =	vst v63  }
0x69: {  	s30 =	smov.u32 s1  }
0x6a: {  	p0 =	sne.s32 s1, $0xFFFFFCC0;
	s1 =	sadd.s32 $0x340, s1;
	_ =	swait.ge [sflag:s28], $0x320  }
0x6b: {  	s30 =	sshra.s32 s30, $0x2;
	[sflag:s28] =	ssyncset.done $0x0  }
.Ltmp0:
0x6c: {  	s4 =	sadd.s32 $0x28A0, s30;
	[sflag:s28] =	ssyncadd.s32 $0xFFFFFCE0;
	(pc) =	sbr.rel @p0 .LBB2_2-.Ltmp0, $4  }
0x6d: {  	[spmem:s2] =	stream.indirect.scatter.add.f32 [tilespmem:s24], [sflag:$0x1], $0x8, s4, s29, $0xb8;
	[tilespmem:$0x3FC0] =	vst v63  }
0x6e: {  	_ =	swait.ge [sflag:s31], $0x320  }
0x6f: {  	[sflag:s31] =	ssyncset.done $0x0  }
0x70: {  	s30 =	sadd.s32 $0x2908, s30;
	[sflag:s31] =	ssyncadd.s32 $0xFFFFFCE0  }
0x71: {  	[spmem:s2] =	stream.indirect.scatter.add.f32 [tilespmem:s24], [sflag:$0x2], $0x8, s30, s29, $0xb8;
	[tilespmem:$0x3FC0] =	vst v63  }
0x72: {  	_ =	swait.ge [sflag:s28], $0x320  }
0x73: {  	[sflag:s28] =	ssyncset.done $0x0  }
0x74: {  	[sflag:s28] =	ssyncadd.s32 $0xFFFFFCE0  }
0x75: {  	_ =	swait.ge [sflag:s31], $0x320  }
0x76: {  	s1 =	stileid.u32;
	s0 =	sadd.s32 $0x1, s0;
	[sflag:s31] =	ssyncset.done $0x0  }
0x77: {  	s1 =	sshll.u32 s1, $0x6;
	p0 =	sne.s32 s0, s8;
	[sflag:s31] =	ssyncadd.s32 $0xFFFFFCE0  }
.Ltmp1:
0x78: {  	s1 =	sor.u32 $0x1C03, s1;
	[bflag:$0x0] =	sbarrier.arrive $0xFFFF;
	(pc) =	sbr.rel @p0 .LBB2_1-.Ltmp1, $4  }
0x79: {  	[hbm:s6], [sflag:s1] =	dma.local [spmem:s25], $0x280  }
0x7a: {  	_ =	swait.ge [sflag:s26], $0x280  }
0x7b: {  	[sflag:s26] =	ssyncset.done $0x0  }
0x7c: {  	[sflag:s26] =	ssyncadd.s32 $0xFFFFFD80  }
0x7d: {  	_ =	sfence.sel $0x180000  }
0x7e: {  	[bflag:$0x0] =	sbarrier.arrive $0xFFFF  }
0x7f: {  	_ =	strace $0x90000047  }
0x80: {  	s0 =	stileid.u32;
	[bflag:$0x2] =	sbarrier.arrive $0xFFFF  }
0x81: {  	p0 =	sne.s32 s0, $0x0;
	s0 =	rddreg [dreg:$0x3]  }
0x82: {  	s0 =	sadd.s32 @!p0 $0x100000, s0  }
0x83: {  	[sflag:s0] =	ssyncadd.tile.s32 @!p0 $0x1;
	_ =	shalt  }
.Lfunc_end2:
_tile_overlayer_lowered:
.L_overlay_start_2:
0x84: {  	(tag) =	ssettag $0x2  }
0x85: {  	s0 =	rddreg [dreg:$0x0];
	s2 =	stileid.u32  }
0x86: {  	s1 =	rddreg [dreg:$0x1];
	p0 =	sne.s32 s2, $0x0  }
0x87: {  	s3 =	rddreg [dreg:$0x2];
	[bflag:$0x3] =	sbarrier.arrive $0xFFFF;
	s2 =	simm.s32 @!p0 $0x1C03  }
0x88: {  	[timem:s3], [sflag:s2] =	dma.local @!p0 [hbm:s0], s1  }
0x89: {  	s0 =	simm.s32 @!p0 $0x3  }
0x8a: {  	_ =	swait.ge @!p0 [sflag:s0], s1  }
0x8b: {  	s1 =	ssub.s32 @!p0 $0x0, s1;
	[sflag:s0] =	ssyncset.done @!p0 $0x0  }
0x8c: {  	[sflag:s0] =	ssyncadd.s32 @!p0 s1  }
0x8d: {  	[bflag:$0x3] =	sbarrier.arrive $0xFFFF  }
0x8e: {  	_ =	shalt  }

</sc_bundles>
